<compile_context>
chip_gen: v7x
topology: tpu7x:2x2x1
jax: 0.10.2.dev20260603
libtpu: 0.0.44.dev20260713+nightly
codegen_flags: <defaults>
</compile_context>

<pallas_src>
import functools

import jax
import jax.numpy as jnp
from jax.experimental import pallas as pl
from jax.experimental.pallas import tpu as pltpu

F32 = jnp.float32
EPS = 1e-16


def _rep_mat(a):
    H, C = a.shape
    HC = H * C
    jj = jnp.arange(HC)[:, None]
    ll = jnp.arange(HC)[None, :]
    return jnp.where(jj // C == ll // C, a[ll // C, jj % C], 0.0).astype(F32)


def _dense0_kernel(x_ref, w_ref, as_ref, ad_ref, xs_ref, xd_ref):
    xp = jnp.dot(x_ref[...], w_ref[...], preferred_element_type=F32)
    xs_ref[:, : xp.shape[1]] = xp
    xs_ref[:, xp.shape[1]:] = jnp.dot(xp, as_ref[...], preferred_element_type=F32)
    xd_ref[...] = jnp.dot(xp, ad_ref[...], preferred_element_type=F32)


def _dense_mid_kernel(acc_ref, b_ref, w_ref, as_ref, adr_ref, xs_ref, xd_ref):
    HC = acc_ref.shape[1] // 2
    h = jnp.maximum(acc_ref[:, :HC] / (acc_ref[:, HC:] + EPS) + b_ref[...], 0.0)
    xp = jnp.dot(h, w_ref[...], preferred_element_type=F32)
    xs_ref[:, : xp.shape[1]] = xp
    xs_ref[:, xp.shape[1]:] = jnp.dot(xp, as_ref[...], preferred_element_type=F32)
    xd_ref[...] = jnp.dot(xp, adr_ref[...], preferred_element_type=F32)


def _make_edge_kernel(HC, CH, n_valid, lo, hi, Nh):
    def ek(src_ref, dst_ref, xs_ref, xd_ref, acc0_ref, acc1_ref):
        g = pl.program_id(0)

        @pl.when(g == 0)
        def _init():
            acc0_ref[...] = jnp.zeros_like(acc0_ref)
            acc1_ref[...] = jnp.zeros_like(acc1_ref)

        base = g * CH
        cmin = dst_ref[0, 0, 0]
        cmax = dst_ref[0, 0, CH - 1]

        @pl.when((cmax >= lo) & (cmin < hi))
        def _run():
            def one(j, acc_ref):
                s = src_ref[0, 0, j]
                d = dst_ref[0, 0, j]
                dl = jnp.clip(d - lo, 0, Nh - 1)
                rs = xs_ref[pl.ds(s, 1), :]
                rd = xd_ref[pl.ds(dl, 1), :]
                al = rs[:, HC:] + rd
                al = jnp.where(al > 0, al, 0.2 * al)
                ea = jnp.exp(al)
                valid = (d >= lo) & (d < hi) & (base + j < n_valid)
                ea = jnp.where(valid, ea, 0.0)
                upd = jnp.concatenate([ea * rs[:, :HC], ea], axis=1)
                acc_ref[pl.ds(dl, 1), :] = acc_ref[pl.ds(dl, 1), :] + upd

            def body(i, carry):
                one(2 * i, acc0_ref)
                one(2 * i + 1, acc1_ref)
                return carry

            jax.lax.fori_loop(0, CH // 2, body, 0)

    return ek


def _edge_pass(srcr, dstr, XS, XD, HC, CH, n_valid):
    N = XD.shape[0]
    G = srcr.shape[0]
    halves = []
    Nh = N // 2
    for lo in (0, Nh):
        ek = _make_edge_kernel(HC, CH, n_valid, lo, lo + Nh, Nh)
        acc_e, acc_o = pl.pallas_call(
            ek,
            grid=(G,),
            in_specs=[
                pl.BlockSpec((1, 1, CH), lambda g: (g, 0, 0), memory_space=pltpu.SMEM),
                pl.BlockSpec((1, 1, CH), lambda g: (g, 0, 0), memory_space=pltpu.SMEM),
                pl.BlockSpec((N, 2 * HC), lambda g: (0, 0)),
                pl.BlockSpec((Nh, HC), lambda g: (0, 0)),
            ],
            out_specs=[pl.BlockSpec((Nh, 2 * HC), lambda g: (0, 0)),
                       pl.BlockSpec((Nh, 2 * HC), lambda g: (0, 0))],
            out_shape=[jax.ShapeDtypeStruct((Nh, 2 * HC), F32),
                       jax.ShapeDtypeStruct((Nh, 2 * HC), F32)],
            compiler_params=pltpu.CompilerParams(
                vmem_limit_bytes=100 * 1024 * 1024,
            ),
        )(srcr, dstr, XS, jax.lax.slice_in_dim(XD, lo, lo + Nh))
        halves.append(acc_e + acc_o)
    return jnp.concatenate(halves, axis=0)


def _heads_kernel(acc_ref, b_ref, x_ref,
                  pw1_ref, pb1_ref, pw2_ref, pb2_ref, pw3_ref, pb3_ref,
                  cw1_ref, cb1_ref, cw2_ref, cb2_ref,
                  h_ref, pc_ref, pp_ref, mg_ref, cc_ref, op_ref):
    HC = acc_ref.shape[1] // 2
    h = acc_ref[:, :HC] / (acc_ref[:, HC:] + EPS) + b_ref[...]
    h_ref[...] = h
    p = jnp.maximum(jnp.dot(h, pw1_ref[...], preferred_element_type=F32) + pb1_ref[...], 0.0)
    p = jnp.maximum(jnp.dot(p, pw2_ref[...], preferred_element_type=F32) + pb2_ref[...], 0.0)
    p = jnp.dot(p, pw3_ref[...], preferred_element_type=F32) + pb3_ref[...]
    pc_ref[...] = p
    pp_ref[...] = p + x_ref[...]
    mags = jnp.sqrt(jnp.sum(p * p, axis=1, keepdims=True))
    mg8 = jnp.broadcast_to(mags, mg_ref.shape)
    mg_ref[...] = mg8
    c = jnp.maximum(jnp.dot(h, cw1_ref[...], preferred_element_type=F32) + cb1_ref[...], 0.0)
    c = jax.nn.sigmoid(jnp.dot(c, cw2_ref[...], preferred_element_type=F32) + cb2_ref[...])
    cc_ref[...] = c
    op_ref[...] = (mg8 >= 2.5).astype(jnp.int32)


def _full(shape):
    return pl.BlockSpec(shape, lambda i: tuple(0 for _ in shape))


@functools.partial(jax.jit, static_argnames=())
def kernel(x, edge_index, W0, as0, ad0, b0, W1, as1, ad1, b1, W2, as2, ad2, b2,
           pcW1, pcb1, pcW2, pcb2, pcW3, pcb3, ccW1, ccb1, ccW2, ccb2):
    N = x.shape[0]
    E = edge_index.shape[1]
    Bn = 2000 if N % 2000 == 0 else N
    CH = 1024
    n_valid = E + N

    ei = edge_index.astype(jnp.int32)
    loop = jnp.arange(N, dtype=jnp.int32)
    src = jnp.concatenate([ei[0], loop])
    dst = jnp.concatenate([ei[1], loop])
    order = jnp.argsort(dst)
    src = src[order]
    dst = dst[order]
    G = (n_valid + CH - 1) // CH
    pad = G * CH - n_valid
    srcr = jnp.pad(src, (0, pad)).reshape(G, 1, CH)
    dstr = jnp.pad(dst, (0, pad), constant_values=N - 1).reshape(G, 1, CH)

    xpad = jnp.pad(x.astype(F32), ((0, 0), (0, 1)))
    W0p = jnp.pad(W0.astype(F32), ((0, 1), (0, 0)))
    As0, Ad0 = _rep_mat(as0[0]), _rep_mat(ad0[0])
    As1, Ad1 = _rep_mat(as1[0]), _rep_mat(ad1[0])
    As2, Ad2 = _rep_mat(as2[0]), _rep_mat(ad2[0])
    b0r, b1r, b2r = b0.reshape(1, 64), b1.reshape(1, 64), b2.reshape(1, 32)

    grid_n = N // Bn

    XS0, XD0 = pl.pallas_call(
        _dense0_kernel,
        grid=(grid_n,),
        in_specs=[
            pl.BlockSpec((Bn, 8), lambda i: (i, 0)),
            _full((8, 64)), _full((64, 64)), _full((64, 64)),
        ],
        out_specs=[pl.BlockSpec((Bn, 128), lambda i: (i, 0)),
                   pl.BlockSpec((Bn, 64), lambda i: (i, 0))],
        out_shape=[jax.ShapeDtypeStruct((N, 128), F32),
                   jax.ShapeDtypeStruct((N, 64), F32)],
    )(xpad, W0p, As0, Ad0)

    acc0 = _edge_pass(srcr, dstr, XS0, XD0, 64, CH, n_valid)

    XS1, XD1 = pl.pallas_call(
        _dense_mid_kernel,
        grid=(grid_n,),
        in_specs=[
            pl.BlockSpec((Bn, 128), lambda i: (i, 0)),
            _full((1, 64)), _full((64, 64)), _full((64, 64)), _full((64, 64)),
        ],
        out_specs=[pl.BlockSpec((Bn, 128), lambda i: (i, 0)),
                   pl.BlockSpec((Bn, 64), lambda i: (i, 0))],
        out_shape=[jax.ShapeDtypeStruct((N, 128), F32),
                   jax.ShapeDtypeStruct((N, 64), F32)],
    )(acc0, b0r, W1.astype(F32), As1, Ad1)

    acc1 = _edge_pass(srcr, dstr, XS1, XD1, 64, CH, n_valid)

    XS2, XD2 = pl.pallas_call(
        _dense_mid_kernel,
        grid=(grid_n,),
        in_specs=[
            pl.BlockSpec((Bn, 128), lambda i: (i, 0)),
            _full((1, 64)), _full((64, 32)), _full((32, 32)), _full((32, 32)),
        ],
        out_specs=[pl.BlockSpec((Bn, 64), lambda i: (i, 0)),
                   pl.BlockSpec((Bn, 32), lambda i: (i, 0))],
        out_shape=[jax.ShapeDtypeStruct((N, 64), F32),
                   jax.ShapeDtypeStruct((N, 32), F32)],
    )(acc1, b1r, W2.astype(F32), As2, Ad2)

    acc2 = _edge_pass(srcr, dstr, XS2, XD2, 32, CH, n_valid)

    pcW3p = jnp.pad(pcW3.astype(F32), ((0, 0), (0, 5)))
    pcb3p = jnp.pad(pcb3.astype(F32), (0, 5)).reshape(1, 8)
    ccW2p = jnp.pad(ccW2.astype(F32), ((0, 0), (0, 7)))
    ccb2p = jnp.pad(ccb2.astype(F32), (0, 7)).reshape(1, 8)
    x3p = jnp.pad(x[:, :3].astype(F32), ((0, 0), (0, 5)))

    houts = pl.pallas_call(
        _heads_kernel,
        grid=(grid_n,),
        in_specs=[
            pl.BlockSpec((Bn, 64), lambda i: (i, 0)),
            _full((1, 32)),
            pl.BlockSpec((Bn, 8), lambda i: (i, 0)),
            _full((32, 32)), _full((1, 32)),
            _full((32, 16)), _full((1, 16)),
            _full((16, 8)), _full((1, 8)),
            _full((32, 8)), _full((1, 8)),
            _full((8, 8)), _full((1, 8)),
        ],
        out_specs=[pl.BlockSpec((Bn, w), lambda i: (i, 0)) for w in (32, 8, 8, 8, 8, 8)],
        out_shape=[
            jax.ShapeDtypeStruct((N, 32), F32),
            jax.ShapeDtypeStruct((N, 8), F32),
            jax.ShapeDtypeStruct((N, 8), F32),
            jax.ShapeDtypeStruct((N, 8), F32),
            jax.ShapeDtypeStruct((N, 8), F32),
            jax.ShapeDtypeStruct((N, 8), jnp.int32),
        ],
    )(acc2, b2r, x3p,
      pcW1.astype(F32), pcb1.reshape(1, 32), pcW2.astype(F32), pcb2.reshape(1, 16),
      pcW3p, pcb3p, ccW1.astype(F32), ccb1.reshape(1, 8), ccW2p, ccb2p)

    h_out, pc8, pp8, mg8, cc8, op8 = houts
    pc = pc8[:, :3]
    mags = mg8[:, 0]
    cc = cc8[:, :1]
    pred_pos = pp8[:, :3]
    node_ops = op8[:, 0]
    return (pc, mags, cc, pred_pos, node_ops, h_out)

# --- scband reference (transcript-rebuilt; emitter-appended) ---
"""Pipeline reference for scband-graph-correction-regression-model-85856396247139 (READ-ONLY COPY).

The authoritative reference and input builder live on the scoring server;
editing this copy changes nothing except your own understanding.
"""

import jax, jax.numpy as jnp
import numpy as np

N = 50000
E = 800000

_PARAM_SHAPES = {
    'W0': (7, 64), 'as0': (1, 2, 32), 'ad0': (1, 2, 32), 'b0': (64,),
    'W1': (64, 64), 'as1': (1, 2, 32), 'ad1': (1, 2, 32), 'b1': (64,),
    'W2': (64, 32), 'as2': (1, 1, 32), 'ad2': (1, 1, 32), 'b2': (32,),
    'pcW1': (32, 32), 'pcb1': (32,), 'pcW2': (32, 16), 'pcb2': (16,), 'pcW3': (16, 3), 'pcb3': (3,),
    'ccW1': (32, 8), 'ccb1': (8,), 'ccW2': (8, 1), 'ccb2': (1,),
}


def _gat(x, ei, W, a_s, a_d, b, concat):
    n = x.shape[0]
    loop = jnp.arange(n)
    src = jnp.concatenate([ei[0], loop])
    dst = jnp.concatenate([ei[1], loop])
    H, C = a_s.shape[1], a_s.shape[2]
    xp = (x @ W).reshape(n, H, C)
    asrc = jnp.sum(xp * a_s, axis=-1)
    adst = jnp.sum(xp * a_d, axis=-1)
    alpha = jax.nn.leaky_relu(asrc[src] + adst[dst], 0.2)
    amax = jax.lax.stop_gradient(jax.ops.segment_max(alpha, dst, num_segments=n))
    ea = jnp.exp(alpha - amax[dst])
    den = jax.ops.segment_sum(ea, dst, num_segments=n)
    att = ea / (den[dst] + 1e-16)
    msg = xp[src] * att[:, :, None]
    out = jax.ops.segment_sum(msg, dst, num_segments=n)
    if concat:
        return out.reshape(n, H * C) + b
    return out.mean(axis=1) + b


def setup_inputs(seed: int = 0):
    key = jax.random.key(seed)
    inp = {}
    inp['x'] = jax.random.normal(jax.random.fold_in(key, 0), (N, 7), dtype=jnp.float32)
    inp['edge_index'] = jax.random.randint(jax.random.fold_in(key, 1), (2, E), 0, N)
    for i, (k, shp) in enumerate(_PARAM_SHAPES.items()):
        inp[k] = jax.random.normal(jax.random.fold_in(key, i + 10), shp, dtype=jnp.float32) * 0.1
    return inp


def reference(x, edge_index, W0, as0, ad0, b0, W1, as1, ad1, b1, W2, as2, ad2, b2,
              pcW1, pcb1, pcW2, pcb2, pcW3, pcb3, ccW1, ccb1, ccW2, ccb2):
    current_positions = x[:, :3]
    h = jax.nn.relu(_gat(x, edge_index, W0, as0, ad0, b0, True))
    h = jax.nn.relu(_gat(h, edge_index, W1, as1, ad1, b1, True))
    h = _gat(h, edge_index, W2, as2, ad2, b2, False)
    pc = jax.nn.relu(h @ pcW1 + pcb1)
    pc = jax.nn.relu(pc @ pcW2 + pcb2)
    pc = pc @ pcW3 + pcb3
    cc = jax.nn.relu(h @ ccW1 + ccb1)
    cc = jax.nn.sigmoid(cc @ ccW2 + ccb2)
    mags = jnp.linalg.norm(pc, axis=1)
    node_ops = (mags >= 2.5).astype(jnp.int32)
    pred_pos = current_positions + pc
    return (pc, mags, cc, pred_pos, node_ops, h)

if __name__ == "__main__":
    import jax
    _d = setup_inputs()
    print(jax.jit(kernel)(*tuple(_d.values())))

</pallas_src>

<mosaic_0001>
module attributes {stable_mosaic.version = 14 : i64} {
  func.func @_dense0_kernel(%arg0: i32, %arg1: memref<2000x8xf32, #tpu.memory_space<vmem>>, %arg2: memref<8x64xf32, #tpu.memory_space<vmem>>, %arg3: memref<64x64xf32, #tpu.memory_space<vmem>>, %arg4: memref<64x64xf32, #tpu.memory_space<vmem>>, %arg5: memref<2000x128xf32, #tpu.memory_space<vmem>>, %arg6: memref<2000x64xf32, #tpu.memory_space<vmem>>) attributes {dimension_semantics = [#tpu.dimension_semantics<arbitrary>], iteration_bounds = array<i64: 25>, scalar_prefetch = 0 : i64, scratch_operands = 0 : i64, tpu.core_type = #tpu.core_type<tc>, window_params = [{transform_indices = @transform_0, window_bounds = array<i64: 2000, 8>}, {pipeline_mode = #tpu.pipeline_mode<synchronous>, transform_indices = @transform_1, window_bounds = array<i64: 8, 64>}, {pipeline_mode = #tpu.pipeline_mode<synchronous>, transform_indices = @transform_2, window_bounds = array<i64: 64, 64>}, {pipeline_mode = #tpu.pipeline_mode<synchronous>, transform_indices = @transform_3, window_bounds = array<i64: 64, 64>}, {transform_indices = @transform_4, window_bounds = array<i64: 2000, 128>}, {transform_indices = @transform_5, window_bounds = array<i64: 2000, 64>}]} {
    %get3A = arith.constant 0 : index
    %get3A_0 = arith.constant 0 : index
    %get3A_1 = vector.load %arg1[%get3A, %get3A_0] : memref<2000x8xf32, #tpu.memory_space<vmem>>, vector<2000x8xf32>
    %get3A_2 = arith.constant 0 : index
    %get3A_3 = arith.constant 0 : index
    %get3A_4 = vector.load %arg2[%get3A_2, %get3A_3] : memref<8x64xf32, #tpu.memory_space<vmem>>, vector<8x64xf32>
    %dot_general3A = arith.constant dense<0.000000e+00> : vector<2000x64xf32>
    %dot_general3A_5 = tpu.matmul %get3A_1, %get3A_4, %dot_general3A {dimension_numbers = #tpu.dot_dimension_numbers<[1], [0], [0], [1], [0, 0, 1, 1], [], []>, transpose_lhs_hint = false} : vector<2000x8xf32>, vector<8x64xf32>, vector<2000x64xf32> -> vector<2000x64xf32>
    %swap3A = arith.constant 0 : index
    %swap3A_6 = arith.constant 0 : index
    %swap3A_7 = vector.load %arg5[%swap3A, %swap3A_6] : memref<2000x128xf32, #tpu.memory_space<vmem>>, vector<2000x64xf32>
    tpu.vector_store %arg5[%swap3A, %swap3A_6], %dot_general3A_5 {strides = array<i32>} : memref<2000x128xf32, #tpu.memory_space<vmem>>, vector<2000x64xf32>,
    %get3A_8 = arith.constant 0 : index
    %get3A_9 = arith.constant 0 : index
    %get3A_10 = vector.load %arg3[%get3A_8, %get3A_9] : memref<64x64xf32, #tpu.memory_space<vmem>>, vector<64x64xf32>
    %dot_general3A_11 = arith.constant dense<0.000000e+00> : vector<2000x64xf32>
    %dot_general3A_12 = tpu.matmul %dot_general3A_5, %get3A_10, %dot_general3A_11 {dimension_numbers = #tpu.dot_dimension_numbers<[1], [0], [0], [1], [0, 0, 1, 1], [], []>, transpose_lhs_hint = false} : vector<2000x64xf32>, vector<64x64xf32>, vector<2000x64xf32> -> vector<2000x64xf32>
    %swap3A_13 = arith.constant 0 : index
    %swap3A_14 = arith.constant 64 : index
    %swap3A_15 = vector.load %arg5[%swap3A_13, %swap3A_14] : memref<2000x128xf32, #tpu.memory_space<vmem>>, vector<2000x64xf32>
    tpu.vector_store %arg5[%swap3A_13, %swap3A_14], %dot_general3A_12 {strides = array<i32>} : memref<2000x128xf32, #tpu.memory_space<vmem>>, vector<2000x64xf32>,
    %get3A_16 = arith.constant 0 : index
    %get3A_17 = arith.constant 0 : index
    %get3A_18 = vector.load %arg4[%get3A_16, %get3A_17] : memref<64x64xf32, #tpu.memory_space<vmem>>, vector<64x64xf32>
    %dot_general3A_19 = arith.constant dense<0.000000e+00> : vector<2000x64xf32>
    %dot_general3A_20 = tpu.matmul %dot_general3A_5, %get3A_18, %dot_general3A_19 {dimension_numbers = #tpu.dot_dimension_numbers<[1], [0], [0], [1], [0, 0, 1, 1], [], []>, transpose_lhs_hint = false} : vector<2000x64xf32>, vector<64x64xf32>, vector<2000x64xf32> -> vector<2000x64xf32>
    %swap3A_21 = arith.constant 0 : index
    %swap3A_22 = arith.constant 0 : index
    %swap3A_23 = vector.load %arg6[%swap3A_21, %swap3A_22] : memref<2000x64xf32, #tpu.memory_space<vmem>>, vector<2000x64xf32>
    tpu.vector_store %arg6[%swap3A_21, %swap3A_22], %dot_general3A_20 {strides = array<i32>} : memref<2000x64xf32, #tpu.memory_space<vmem>>, vector<2000x64xf32>,
    return
  }
  func.func @transform_0(%arg0: i32) -> (i32, i32) {
    %c0_i32 = arith.constant 0 : i32
    %c0_i32_0 = arith.constant 0 : i32
    return %arg0, %c0_i32 : i32, i32
  }
  func.func @transform_1(%arg0: i32) -> (i32, i32) {
    %c0_i32 = arith.constant 0 : i32
    %c0_i32_0 = arith.constant 0 : i32
    %c0_i32_1 = arith.constant 0 : i32
    return %c0_i32, %c0_i32_0 : i32, i32
  }
  func.func @transform_2(%arg0: i32) -> (i32, i32) {
    %c0_i32 = arith.constant 0 : i32
    %c0_i32_0 = arith.constant 0 : i32
    %c0_i32_1 = arith.constant 0 : i32
    return %c0_i32, %c0_i32_0 : i32, i32
  }
  func.func @transform_3(%arg0: i32) -> (i32, i32) {
    %c0_i32 = arith.constant 0 : i32
    %c0_i32_0 = arith.constant 0 : i32
    %c0_i32_1 = arith.constant 0 : i32
    return %c0_i32, %c0_i32_0 : i32, i32
  }
  func.func @transform_4(%arg0: i32) -> (i32, i32) {
    %c0_i32 = arith.constant 0 : i32
    %c0_i32_0 = arith.constant 0 : i32
    return %arg0, %c0_i32 : i32, i32
  }
  func.func @transform_5(%arg0: i32) -> (i32, i32) {
    %c0_i32 = arith.constant 0 : i32
    %c0_i32_0 = arith.constant 0 : i32
    return %arg0, %c0_i32 : i32, i32
  }
}

module attributes {stable_mosaic.version = 14 : i64} {
  func.func @ek(%arg0: i32, %arg1: memref<1x1x1024xi32, #tpu.memory_space<smem>>, %arg2: memref<1x1x1024xi32, #tpu.memory_space<smem>>, %arg3: memref<50000x128xf32, #tpu.memory_space<vmem>>, %arg4: memref<25000x64xf32, #tpu.memory_space<vmem>>, %arg5: memref<25000x128xf32, #tpu.memory_space<vmem>>, %arg6: memref<25000x128xf32, #tpu.memory_space<vmem>>) attributes {dimension_semantics = [#tpu.dimension_semantics<arbitrary>], iteration_bounds = array<i64: 831>, scalar_prefetch = 0 : i64, scratch_operands = 0 : i64, tpu.core_type = #tpu.core_type<tc>, window_params = [{transform_indices = @transform_0, window_bounds = array<i64: 1, 1, 1024>}, {transform_indices = @transform_1, window_bounds = array<i64: 1, 1, 1024>}, {pipeline_mode = #tpu.pipeline_mode<synchronous>, transform_indices = @transform_2, window_bounds = array<i64: 50000, 128>}, {pipeline_mode = #tpu.pipeline_mode<synchronous>, transform_indices = @transform_3, window_bounds = array<i64: 25000, 64>}, {pipeline_mode = #tpu.pipeline_mode<synchronous>, transform_indices = @transform_4, window_bounds = array<i64: 25000, 128>}, {pipeline_mode = #tpu.pipeline_mode<synchronous>, transform_indices = @transform_5, window_bounds = array<i64: 25000, 128>}]} {
    %eq3A = arith.constant 0 : i32
    %eq3A_0 = arith.cmpi eq, %arg0, %eq3A : i32
    %convert_element_type3A = arith.extui %eq3A_0 : i1 to i32
    %cond3A = arith.constant 0 : i32
    %cond3A_1 = arith.cmpi ne, %convert_element_type3A, %cond3A : i32
    scf.if %cond3A_1 {
      %broadcast_in_dim3A = arith.constant 0.000000e+00 : f32
      %broadcast_in_dim3A_15 = vector.broadcast %broadcast_in_dim3A : f32 to vector<25000x128xf32>
      %swap3A = arith.constant 0 : index
      %swap3A_16 = arith.constant 0 : index
      %swap3A_17 = vector.load %arg5[%swap3A, %swap3A_16] : memref<25000x128xf32, #tpu.memory_space<vmem>>, vector<25000x128xf32>
      tpu.vector_store %arg5[%swap3A, %swap3A_16], %broadcast_in_dim3A_15 {strides = array<i32>} : memref<25000x128xf32, #tpu.memory_space<vmem>>, vector<25000x128xf32>,
      %broadcast_in_dim3A_18 = arith.constant 0.000000e+00 : f32
      %broadcast_in_dim3A_19 = vector.broadcast %broadcast_in_dim3A_18 : f32 to vector<25000x128xf32>
      %swap3A_20 = arith.constant 0 : index
      %swap3A_21 = arith.constant 0 : index
      %swap3A_22 = vector.load %arg6[%swap3A_20, %swap3A_21] : memref<25000x128xf32, #tpu.memory_space<vmem>>, vector<25000x128xf32>
      tpu.vector_store %arg6[%swap3A_20, %swap3A_21], %broadcast_in_dim3A_19 {strides = array<i32>} : memref<25000x128xf32, #tpu.memory_space<vmem>>, vector<25000x128xf32>,
    } else {
    }
    %mul3A = arith.constant 1024 : i32
    %mul3A_2 = arith.muli %arg0, %mul3A : i32
    %get3A = arith.constant 0 : index
    %get3A_3 = arith.constant 0 : index
    %get3A_4 = arith.constant 0 : index
    %get3A_5 = memref.load %arg2[%get3A, %get3A_3, %get3A_4] : memref<1x1x1024xi32, #tpu.memory_space<smem>>
    %get3A_6 = arith.constant 0 : index
    %get3A_7 = arith.constant 0 : index
    %get3A_8 = arith.constant 1023 : index
    %get3A_9 = memref.load %arg2[%get3A_6, %get3A_7, %get3A_8] : memref<1x1x1024xi32, #tpu.memory_space<smem>>
    %ge3A = arith.constant 0 : i32
    %ge3A_10 = arith.cmpi sge, %get3A_9, %ge3A : i32
    %lt3A = arith.constant 25000 : i32
    %lt3A_11 = arith.cmpi slt, %get3A_5, %lt3A : i32
    %and3A = arith.andi %ge3A_10, %lt3A_11 : i1
    %convert_element_type3A_12 = arith.extui %and3A : i1 to i32
    %cond3A_13 = arith.constant 0 : i32
    %cond3A_14 = arith.cmpi ne, %convert_element_type3A_12, %cond3A_13 : i32
    scf.if %cond3A_14 {
      %scan3A = arith.constant 0 : i32
      %scan3A_15 = arith.constant 512 : i32
      %scan3A_16 = arith.addi %scan3A, %scan3A_15 : i32
      %scan3A_17 = arith.constant 1 : i32
      scf.for %scan3A_19 = %scan3A to %scan3A_16 step %scan3A_17  : i32 {
        %mul3A_20 = arith.constant 2 : i32
        %mul3A_21 = arith.muli %mul3A_20, %scan3A_19 : i32
        %get3A_22 = arith.constant 0 : index
        %get3A_23 = arith.constant 0 : index
        %get3A_24 = arith.index_cast %mul3A_21 : i32 to index
        %get3A_25 = memref.load %arg1[%get3A_22, %get3A_23, %get3A_24] : memref<1x1x1024xi32, #tpu.memory_space<smem>>
        %get3A_26 = arith.constant 0 : index
        %get3A_27 = arith.constant 0 : index
        %get3A_28 = arith.index_cast %mul3A_21 : i32 to index
        %get3A_29 = memref.load %arg2[%get3A_26, %get3A_27, %get3A_28] : memref<1x1x1024xi32, #tpu.memory_space<smem>>
        %sub3A = arith.constant 0 : i32
        %sub3A_30 = arith.subi %get3A_29, %sub3A : i32
        %jit3A = arith.constant 0 : i32
        %jit3A_31 = arith.constant 24999 : i32
        %max3A = arith.maxsi %jit3A, %sub3A_30 : i32
        %min3A = arith.minsi %jit3A_31, %max3A : i32
        %get3A_32 = arith.index_cast %get3A_25 : i32 to index
        %get3A_33 = arith.constant 0 : index
        %get3A_34 = vector.load %arg3[%get3A_32, %get3A_33] : memref<50000x128xf32, #tpu.memory_space<vmem>>, vector<1x128xf32>
        %get3A_35 = arith.index_cast %min3A : i32 to index
        %get3A_36 = arith.constant 0 : index
        %get3A_37 = vector.load %arg4[%get3A_35, %get3A_36] : memref<25000x64xf32, #tpu.memory_space<vmem>>, vector<1x64xf32>
        %slice3A = vector.extract_strided_slice %get3A_34 {offsets = [0, 64], sizes = [1, 64], strides = [1, 1]} : vector<1x128xf32> to vector<1x64xf32>
        %add3A = arith.addf %slice3A, %get3A_37 : vector<1x64xf32>
        %gt3A = arith.constant 0.000000e+00 : f32
        %gt3A_38 = vector.broadcast %gt3A : f32 to vector<1x64xf32>
        %gt3A_39 = arith.cmpf ogt, %add3A, %gt3A_38 : vector<1x64xf32>
        %mul3A_40 = arith.constant 2.000000e-01 : f32
        %mul3A_41 = vector.broadcast %mul3A_40 : f32 to vector<1x64xf32>
        %mul3A_42 = arith.mulf %mul3A_41, %add3A : vector<1x64xf32>
        %select_n3A = arith.select %gt3A_39, %add3A, %mul3A_42 : vector<1x64xi1>, vector<1x64xf32>
        %exp3A = math.exp %select_n3A : vector<1x64xf32>
        %ge3A_43 = arith.constant 0 : i32
        %ge3A_44 = arith.cmpi sge, %get3A_29, %ge3A_43 : i32
        %lt3A_45 = arith.constant 25000 : i32
        %lt3A_46 = arith.cmpi slt, %get3A_29, %lt3A_45 : i32
        %and3A_47 = arith.andi %ge3A_44, %lt3A_46 : i1
        %add3A_48 = arith.addi %mul3A_2, %mul3A_21 : i32
        %lt3A_49 = arith.constant 850000 : i32
        %lt3A_50 = arith.cmpi slt, %add3A_48, %lt3A_49 : i32
        %and3A_51 = arith.andi %and3A_47, %lt3A_50 : i1
        %jit3A_52 = arith.constant 0.000000e+00 : f32
        %broadcast_in_dim3A = vector.broadcast %jit3A_52 : f32 to vector<1x64xf32>
        %select_n3A_53 = arith.select %and3A_51, %exp3A, %broadcast_in_dim3A : vector<1x64xf32>
        %slice3A_54 = vector.extract_strided_slice %get3A_34 {offsets = [0, 0], sizes = [1, 64], strides = [1, 1]} : vector<1x128xf32> to vector<1x64xf32>
        %mul3A_55 = arith.mulf %select_n3A_53, %slice3A_54 : vector<1x64xf32>
        %concatenate3A = tpu.concatenate %mul3A_55, %select_n3A_53 in 1 : vector<1x64xf32>, vector<1x64xf32> -> vector<1x128xf32>
        %get3A_56 = arith.index_cast %min3A : i32 to index
        %get3A_57 = arith.constant 0 : index
        %get3A_58 = vector.load %arg5[%get3A_56, %get3A_57] : memref<25000x128xf32, #tpu.memory_space<vmem>>, vector<1x128xf32>
        %add3A_59 = arith.addf %get3A_58, %concatenate3A : vector<1x128xf32>
        %swap3A = arith.index_cast %min3A : i32 to index
        %swap3A_60 = arith.constant 0 : index
        %swap3A_61 = vector.load %arg5[%swap3A, %swap3A_60] : memref<25000x128xf32, #tpu.memory_space<vmem>>, vector<1x128xf32>
        tpu.vector_store %arg5[%swap3A, %swap3A_60], %add3A_59 {strides = array<i32>} : memref<25000x128xf32, #tpu.memory_space<vmem>>, vector<1x128xf32>,
        %mul3A_62 = arith.constant 2 : i32
        %mul3A_63 = arith.muli %mul3A_62, %scan3A_19 : i32
        %add3A_64 = arith.constant 1 : i32
        %add3A_65 = arith.addi %mul3A_63, %add3A_64 : i32
        %get3A_66 = arith.constant 0 : index
        %get3A_67 = arith.constant 0 : index
        %get3A_68 = arith.index_cast %add3A_65 : i32 to index
        %get3A_69 = memref.load %arg1[%get3A_66, %get3A_67, %get3A_68] : memref<1x1x1024xi32, #tpu.memory_space<smem>>
        %get3A_70 = arith.constant 0 : index
        %get3A_71 = arith.constant 0 : index
        %get3A_72 = arith.index_cast %add3A_65 : i32 to index
        %get3A_73 = memref.load %arg2[%get3A_70, %get3A_71, %get3A_72] : memref<1x1x1024xi32, #tpu.memory_space<smem>>
        %sub3A_74 = arith.constant 0 : i32
        %sub3A_75 = arith.subi %get3A_73, %sub3A_74 : i32
        %jit3A_76 = arith.constant 0 : i32
        %jit3A_77 = arith.constant 24999 : i32
        %max3A_78 = arith.maxsi %jit3A_76, %sub3A_75 : i32
        %min3A_79 = arith.minsi %jit3A_77, %max3A_78 : i32
        %get3A_80 = arith.index_cast %get3A_69 : i32 to index
        %get3A_81 = arith.constant 0 : index
        %get3A_82 = vector.load %arg3[%get3A_80, %get3A_81] : memref<50000x128xf32, #tpu.memory_space<vmem>>, vector<1x128xf32>
        %get3A_83 = arith.index_cast %min3A_79 : i32 to index
        %get3A_84 = arith.constant 0 : index
        %get3A_85 = vector.load %arg4[%get3A_83, %get3A_84] : memref<25000x64xf32, #tpu.memory_space<vmem>>, vector<1x64xf32>
        %slice3A_86 = vector.extract_strided_slice %get3A_82 {offsets = [0, 64], sizes = [1, 64], strides = [1, 1]} : vector<1x128xf32> to vector<1x64xf32>
        %add3A_87 = arith.addf %slice3A_86, %get3A_85 : vector<1x64xf32>
        %gt3A_88 = arith.constant 0.000000e+00 : f32
        %gt3A_89 = vector.broadcast %gt3A_88 : f32 to vector<1x64xf32>
        %gt3A_90 = arith.cmpf ogt, %add3A_87, %gt3A_89 : vector<1x64xf32>
        %mul3A_91 = arith.constant 2.000000e-01 : f32
        %mul3A_92 = vector.broadcast %mul3A_91 : f32 to vector<1x64xf32>
        %mul3A_93 = arith.mulf %mul3A_92, %add3A_87 : vector<1x64xf32>
        %select_n3A_94 = arith.select %gt3A_90, %add3A_87, %mul3A_93 : vector<1x64xi1>, vector<1x64xf32>
        %exp3A_95 = math.exp %select_n3A_94 : vector<1x64xf32>
        %ge3A_96 = arith.constant 0 : i32
        %ge3A_97 = arith.cmpi sge, %get3A_73, %ge3A_96 : i32
        %lt3A_98 = arith.constant 25000 : i32
        %lt3A_99 = arith.cmpi slt, %get3A_73, %lt3A_98 : i32
        %and3A_100 = arith.andi %ge3A_97, %lt3A_99 : i1
        %add3A_101 = arith.addi %mul3A_2, %add3A_65 : i32
        %lt3A_102 = arith.constant 850000 : i32
        %lt3A_103 = arith.cmpi slt, %add3A_101, %lt3A_102 : i32
        %and3A_104 = arith.andi %and3A_100, %lt3A_103 : i1
        %jit3A_105 = arith.constant 0.000000e+00 : f32
        %broadcast_in_dim3A_106 = vector.broadcast %jit3A_105 : f32 to vector<1x64xf32>
        %select_n3A_107 = arith.select %and3A_104, %exp3A_95, %broadcast_in_dim3A_106 : vector<1x64xf32>
        %slice3A_108 = vector.extract_strided_slice %get3A_82 {offsets = [0, 0], sizes = [1, 64], strides = [1, 1]} : vector<1x128xf32> to vector<1x64xf32>
        %mul3A_109 = arith.mulf %select_n3A_107, %slice3A_108 : vector<1x64xf32>
        %concatenate3A_110 = tpu.concatenate %mul3A_109, %select_n3A_107 in 1 : vector<1x64xf32>, vector<1x64xf32> -> vector<1x128xf32>
        %get3A_111 = arith.index_cast %min3A_79 : i32 to index
        %get3A_112 = arith.constant 0 : index
        %get3A_113 = vector.load %arg6[%get3A_111, %get3A_112] : memref<25000x128xf32, #tpu.memory_space<vmem>>, vector<1x128xf32>
        %add3A_114 = arith.addf %get3A_113, %concatenate3A_110 : vector<1x128xf32>
        %swap3A_115 = arith.index_cast %min3A_79 : i32 to index
        %swap3A_116 = arith.constant 0 : index
        %swap3A_117 = vector.load %arg6[%swap3A_115, %swap3A_116] : memref<25000x128xf32, #tpu.memory_space<vmem>>, vector<1x128xf32>
        tpu.vector_store %arg6[%swap3A_115, %swap3A_116], %add3A_114 {strides = array<i32>} : memref<25000x128xf32, #tpu.memory_space<vmem>>, vector<1x128xf32>,
      }
      %scan3A_18 = arith.constant 512 : i32
    } else {
    }
    return
  }
  func.func @transform_0(%arg0: i32) -> (i32, i32, i32) {
    %c0_i32 = arith.constant 0 : i32
    %c0_i32_0 = arith.constant 0 : i32
    %c0_i32_1 = arith.constant 0 : i32
    return %arg0, %c0_i32, %c0_i32_0 : i32, i32, i32
  }
  func.func @transform_1(%arg0: i32) -> (i32, i32, i32) {
    %c0_i32 = arith.constant 0 : i32
    %c0_i32_0 = arith.constant 0 : i32
    %c0_i32_1 = arith.constant 0 : i32
    return %arg0, %c0_i32, %c0_i32_0 : i32, i32, i32
  }
  func.func @transform_2(%arg0: i32) -> (i32, i32) {
    %c0_i32 = arith.constant 0 : i32
    %c0_i32_0 = arith.constant 0 : i32
    %c0_i32_1 = arith.constant 0 : i32
    return %c0_i32, %c0_i32_0 : i32, i32
  }
  func.func @transform_3(%arg0: i32) -> (i32, i32) {
    %c0_i32 = arith.constant 0 : i32
    %c0_i32_0 = arith.constant 0 : i32
    %c0_i32_1 = arith.constant 0 : i32
    return %c0_i32, %c0_i32_0 : i32, i32
  }
  func.func @transform_4(%arg0: i32) -> (i32, i32) {
    %c0_i32 = arith.constant 0 : i32
    %c0_i32_0 = arith.constant 0 : i32
    %c0_i32_1 = arith.constant 0 : i32
    return %c0_i32, %c0_i32_0 : i32, i32
  }
  func.func @transform_5(%arg0: i32) -> (i32, i32) {
    %c0_i32 = arith.constant 0 : i32
    %c0_i32_0 = arith.constant 0 : i32
    %c0_i32_1 = arith.constant 0 : i32
    return %c0_i32, %c0_i32_0 : i32, i32
  }
}

module attributes {stable_mosaic.version = 14 : i64} {
  func.func @ek(%arg0: i32, %arg1: memref<1x1x1024xi32, #tpu.memory_space<smem>>, %arg2: memref<1x1x1024xi32, #tpu.memory_space<smem>>, %arg3: memref<50000x128xf32, #tpu.memory_space<vmem>>, %arg4: memref<25000x64xf32, #tpu.memory_space<vmem>>, %arg5: memref<25000x128xf32, #tpu.memory_space<vmem>>, %arg6: memref<25000x128xf32, #tpu.memory_space<vmem>>) attributes {dimension_semantics = [#tpu.dimension_semantics<arbitrary>], iteration_bounds = array<i64: 831>, scalar_prefetch = 0 : i64, scratch_operands = 0 : i64, tpu.core_type = #tpu.core_type<tc>, window_params = [{transform_indices = @transform_0, window_bounds = array<i64: 1, 1, 1024>}, {transform_indices = @transform_1, window_bounds = array<i64: 1, 1, 1024>}, {pipeline_mode = #tpu.pipeline_mode<synchronous>, transform_indices = @transform_2, window_bounds = array<i64: 50000, 128>}, {pipeline_mode = #tpu.pipeline_mode<synchronous>, transform_indices = @transform_3, window_bounds = array<i64: 25000, 64>}, {pipeline_mode = #tpu.pipeline_mode<synchronous>, transform_indices = @transform_4, window_bounds = array<i64: 25000, 128>}, {pipeline_mode = #tpu.pipeline_mode<synchronous>, transform_indices = @transform_5, window_bounds = array<i64: 25000, 128>}]} {
    %eq3A = arith.constant 0 : i32
    %eq3A_0 = arith.cmpi eq, %arg0, %eq3A : i32
    %convert_element_type3A = arith.extui %eq3A_0 : i1 to i32
    %cond3A = arith.constant 0 : i32
    %cond3A_1 = arith.cmpi ne, %convert_element_type3A, %cond3A : i32
    scf.if %cond3A_1 {
      %broadcast_in_dim3A = arith.constant 0.000000e+00 : f32
      %broadcast_in_dim3A_15 = vector.broadcast %broadcast_in_dim3A : f32 to vector<25000x128xf32>
      %swap3A = arith.constant 0 : index
      %swap3A_16 = arith.constant 0 : index
      %swap3A_17 = vector.load %arg5[%swap3A, %swap3A_16] : memref<25000x128xf32, #tpu.memory_space<vmem>>, vector<25000x128xf32>
      tpu.vector_store %arg5[%swap3A, %swap3A_16], %broadcast_in_dim3A_15 {strides = array<i32>} : memref<25000x128xf32, #tpu.memory_space<vmem>>, vector<25000x128xf32>,
      %broadcast_in_dim3A_18 = arith.constant 0.000000e+00 : f32
      %broadcast_in_dim3A_19 = vector.broadcast %broadcast_in_dim3A_18 : f32 to vector<25000x128xf32>
      %swap3A_20 = arith.constant 0 : index
      %swap3A_21 = arith.constant 0 : index
      %swap3A_22 = vector.load %arg6[%swap3A_20, %swap3A_21] : memref<25000x128xf32, #tpu.memory_space<vmem>>, vector<25000x128xf32>
      tpu.vector_store %arg6[%swap3A_20, %swap3A_21], %broadcast_in_dim3A_19 {strides = array<i32>} : memref<25000x128xf32, #tpu.memory_space<vmem>>, vector<25000x128xf32>,
    } else {
    }
    %mul3A = arith.constant 1024 : i32
    %mul3A_2 = arith.muli %arg0, %mul3A : i32
    %get3A = arith.constant 0 : index
    %get3A_3 = arith.constant 0 : index
    %get3A_4 = arith.constant 0 : index
    %get3A_5 = memref.load %arg2[%get3A, %get3A_3, %get3A_4] : memref<1x1x1024xi32, #tpu.memory_space<smem>>
    %get3A_6 = arith.constant 0 : index
    %get3A_7 = arith.constant 0 : index
    %get3A_8 = arith.constant 1023 : index
    %get3A_9 = memref.load %arg2[%get3A_6, %get3A_7, %get3A_8] : memref<1x1x1024xi32, #tpu.memory_space<smem>>
    %ge3A = arith.constant 25000 : i32
    %ge3A_10 = arith.cmpi sge, %get3A_9, %ge3A : i32
    %lt3A = arith.constant 50000 : i32
    %lt3A_11 = arith.cmpi slt, %get3A_5, %lt3A : i32
    %and3A = arith.andi %ge3A_10, %lt3A_11 : i1
    %convert_element_type3A_12 = arith.extui %and3A : i1 to i32
    %cond3A_13 = arith.constant 0 : i32
    %cond3A_14 = arith.cmpi ne, %convert_element_type3A_12, %cond3A_13 : i32
    scf.if %cond3A_14 {
      %scan3A = arith.constant 0 : i32
      %scan3A_15 = arith.constant 512 : i32
      %scan3A_16 = arith.addi %scan3A, %scan3A_15 : i32
      %scan3A_17 = arith.constant 1 : i32
      scf.for %scan3A_19 = %scan3A to %scan3A_16 step %scan3A_17  : i32 {
        %mul3A_20 = arith.constant 2 : i32
        %mul3A_21 = arith.muli %mul3A_20, %scan3A_19 : i32
        %get3A_22 = arith.constant 0 : index
        %get3A_23 = arith.constant 0 : index
        %get3A_24 = arith.index_cast %mul3A_21 : i32 to index
        %get3A_25 = memref.load %arg1[%get3A_22, %get3A_23, %get3A_24] : memref<1x1x1024xi32, #tpu.memory_space<smem>>
        %get3A_26 = arith.constant 0 : index
        %get3A_27 = arith.constant 0 : index
        %get3A_28 = arith.index_cast %mul3A_21 : i32 to index
        %get3A_29 = memref.load %arg2[%get3A_26, %get3A_27, %get3A_28] : memref<1x1x1024xi32, #tpu.memory_space<smem>>
        %sub3A = arith.constant 25000 : i32
        %sub3A_30 = arith.subi %get3A_29, %sub3A : i32
        %jit3A = arith.constant 0 : i32
        %jit3A_31 = arith.constant 24999 : i32
        %max3A = arith.maxsi %jit3A, %sub3A_30 : i32
        %min3A = arith.minsi %jit3A_31, %max3A : i32
        %get3A_32 = arith.index_cast %get3A_25 : i32 to index
        %get3A_33 = arith.constant 0 : index
        %get3A_34 = vector.load %arg3[%get3A_32, %get3A_33] : memref<50000x128xf32, #tpu.memory_space<vmem>>, vector<1x128xf32>
        %get3A_35 = arith.index_cast %min3A : i32 to index
        %get3A_36 = arith.constant 0 : index
        %get3A_37 = vector.load %arg4[%get3A_35, %get3A_36] : memref<25000x64xf32, #tpu.memory_space<vmem>>, vector<1x64xf32>
        %slice3A = vector.extract_strided_slice %get3A_34 {offsets = [0, 64], sizes = [1, 64], strides = [1, 1]} : vector<1x128xf32> to vector<1x64xf32>
        %add3A = arith.addf %slice3A, %get3A_37 : vector<1x64xf32>
        %gt3A = arith.constant 0.000000e+00 : f32
        %gt3A_38 = vector.broadcast %gt3A : f32 to vector<1x64xf32>
        %gt3A_39 = arith.cmpf ogt, %add3A, %gt3A_38 : vector<1x64xf32>
        %mul3A_40 = arith.constant 2.000000e-01 : f32
        %mul3A_41 = vector.broadcast %mul3A_40 : f32 to vector<1x64xf32>
        %mul3A_42 = arith.mulf %mul3A_41, %add3A : vector<1x64xf32>
        %select_n3A = arith.select %gt3A_39, %add3A, %mul3A_42 : vector<1x64xi1>, vector<1x64xf32>
        %exp3A = math.exp %select_n3A : vector<1x64xf32>
        %ge3A_43 = arith.constant 25000 : i32
        %ge3A_44 = arith.cmpi sge, %get3A_29, %ge3A_43 : i32
        %lt3A_45 = arith.constant 50000 : i32
        %lt3A_46 = arith.cmpi slt, %get3A_29, %lt3A_45 : i32
        %and3A_47 = arith.andi %ge3A_44, %lt3A_46 : i1
        %add3A_48 = arith.addi %mul3A_2, %mul3A_21 : i32
        %lt3A_49 = arith.constant 850000 : i32
        %lt3A_50 = arith.cmpi slt, %add3A_48, %lt3A_49 : i32
        %and3A_51 = arith.andi %and3A_47, %lt3A_50 : i1
        %jit3A_52 = arith.constant 0.000000e+00 : f32
        %broadcast_in_dim3A = vector.broadcast %jit3A_52 : f32 to vector<1x64xf32>
        %select_n3A_53 = arith.select %and3A_51, %exp3A, %broadcast_in_dim3A : vector<1x64xf32>
        %slice3A_54 = vector.extract_strided_slice %get3A_34 {offsets = [0, 0], sizes = [1, 64], strides = [1, 1]} : vector<1x128xf32> to vector<1x64xf32>
        %mul3A_55 = arith.mulf %select_n3A_53, %slice3A_54 : vector<1x64xf32>
        %concatenate3A = tpu.concatenate %mul3A_55, %select_n3A_53 in 1 : vector<1x64xf32>, vector<1x64xf32> -> vector<1x128xf32>
        %get3A_56 = arith.index_cast %min3A : i32 to index
        %get3A_57 = arith.constant 0 : index
        %get3A_58 = vector.load %arg5[%get3A_56, %get3A_57] : memref<25000x128xf32, #tpu.memory_space<vmem>>, vector<1x128xf32>
        %add3A_59 = arith.addf %get3A_58, %concatenate3A : vector<1x128xf32>
        %swap3A = arith.index_cast %min3A : i32 to index
        %swap3A_60 = arith.constant 0 : index
        %swap3A_61 = vector.load %arg5[%swap3A, %swap3A_60] : memref<25000x128xf32, #tpu.memory_space<vmem>>, vector<1x128xf32>
        tpu.vector_store %arg5[%swap3A, %swap3A_60], %add3A_59 {strides = array<i32>} : memref<25000x128xf32, #tpu.memory_space<vmem>>, vector<1x128xf32>,
        %mul3A_62 = arith.constant 2 : i32
        %mul3A_63 = arith.muli %mul3A_62, %scan3A_19 : i32
        %add3A_64 = arith.constant 1 : i32
        %add3A_65 = arith.addi %mul3A_63, %add3A_64 : i32
        %get3A_66 = arith.constant 0 : index
        %get3A_67 = arith.constant 0 : index
        %get3A_68 = arith.index_cast %add3A_65 : i32 to index
        %get3A_69 = memref.load %arg1[%get3A_66, %get3A_67, %get3A_68] : memref<1x1x1024xi32, #tpu.memory_space<smem>>
        %get3A_70 = arith.constant 0 : index
        %get3A_71 = arith.constant 0 : index
        %get3A_72 = arith.index_cast %add3A_65 : i32 to index
        %get3A_73 = memref.load %arg2[%get3A_70, %get3A_71, %get3A_72] : memref<1x1x1024xi32, #tpu.memory_space<smem>>
        %sub3A_74 = arith.constant 25000 : i32
        %sub3A_75 = arith.subi %get3A_73, %sub3A_74 : i32
        %jit3A_76 = arith.constant 0 : i32
        %jit3A_77 = arith.constant 24999 : i32
        %max3A_78 = arith.maxsi %jit3A_76, %sub3A_75 : i32
        %min3A_79 = arith.minsi %jit3A_77, %max3A_78 : i32
        %get3A_80 = arith.index_cast %get3A_69 : i32 to index
        %get3A_81 = arith.constant 0 : index
        %get3A_82 = vector.load %arg3[%get3A_80, %get3A_81] : memref<50000x128xf32, #tpu.memory_space<vmem>>, vector<1x128xf32>
        %get3A_83 = arith.index_cast %min3A_79 : i32 to index
        %get3A_84 = arith.constant 0 : index
        %get3A_85 = vector.load %arg4[%get3A_83, %get3A_84] : memref<25000x64xf32, #tpu.memory_space<vmem>>, vector<1x64xf32>
        %slice3A_86 = vector.extract_strided_slice %get3A_82 {offsets = [0, 64], sizes = [1, 64], strides = [1, 1]} : vector<1x128xf32> to vector<1x64xf32>
        %add3A_87 = arith.addf %slice3A_86, %get3A_85 : vector<1x64xf32>
        %gt3A_88 = arith.constant 0.000000e+00 : f32
        %gt3A_89 = vector.broadcast %gt3A_88 : f32 to vector<1x64xf32>
        %gt3A_90 = arith.cmpf ogt, %add3A_87, %gt3A_89 : vector<1x64xf32>
        %mul3A_91 = arith.constant 2.000000e-01 : f32
        %mul3A_92 = vector.broadcast %mul3A_91 : f32 to vector<1x64xf32>
        %mul3A_93 = arith.mulf %mul3A_92, %add3A_87 : vector<1x64xf32>
        %select_n3A_94 = arith.select %gt3A_90, %add3A_87, %mul3A_93 : vector<1x64xi1>, vector<1x64xf32>
        %exp3A_95 = math.exp %select_n3A_94 : vector<1x64xf32>
        %ge3A_96 = arith.constant 25000 : i32
        %ge3A_97 = arith.cmpi sge, %get3A_73, %ge3A_96 : i32
        %lt3A_98 = arith.constant 50000 : i32
        %lt3A_99 = arith.cmpi slt, %get3A_73, %lt3A_98 : i32
        %and3A_100 = arith.andi %ge3A_97, %lt3A_99 : i1
        %add3A_101 = arith.addi %mul3A_2, %add3A_65 : i32
        %lt3A_102 = arith.constant 850000 : i32
        %lt3A_103 = arith.cmpi slt, %add3A_101, %lt3A_102 : i32
        %and3A_104 = arith.andi %and3A_100, %lt3A_103 : i1
        %jit3A_105 = arith.constant 0.000000e+00 : f32
        %broadcast_in_dim3A_106 = vector.broadcast %jit3A_105 : f32 to vector<1x64xf32>
        %select_n3A_107 = arith.select %and3A_104, %exp3A_95, %broadcast_in_dim3A_106 : vector<1x64xf32>
        %slice3A_108 = vector.extract_strided_slice %get3A_82 {offsets = [0, 0], sizes = [1, 64], strides = [1, 1]} : vector<1x128xf32> to vector<1x64xf32>
        %mul3A_109 = arith.mulf %select_n3A_107, %slice3A_108 : vector<1x64xf32>
        %concatenate3A_110 = tpu.concatenate %mul3A_109, %select_n3A_107 in 1 : vector<1x64xf32>, vector<1x64xf32> -> vector<1x128xf32>
        %get3A_111 = arith.index_cast %min3A_79 : i32 to index
        %get3A_112 = arith.constant 0 : index
        %get3A_113 = vector.load %arg6[%get3A_111, %get3A_112] : memref<25000x128xf32, #tpu.memory_space<vmem>>, vector<1x128xf32>
        %add3A_114 = arith.addf %get3A_113, %concatenate3A_110 : vector<1x128xf32>
        %swap3A_115 = arith.index_cast %min3A_79 : i32 to index
        %swap3A_116 = arith.constant 0 : index
        %swap3A_117 = vector.load %arg6[%swap3A_115, %swap3A_116] : memref<25000x128xf32, #tpu.memory_space<vmem>>, vector<1x128xf32>
        tpu.vector_store %arg6[%swap3A_115, %swap3A_116], %add3A_114 {strides = array<i32>} : memref<25000x128xf32, #tpu.memory_space<vmem>>, vector<1x128xf32>,
      }
      %scan3A_18 = arith.constant 512 : i32
    } else {
    }
    return
  }
  func.func @transform_0(%arg0: i32) -> (i32, i32, i32) {
    %c0_i32 = arith.constant 0 : i32
    %c0_i32_0 = arith.constant 0 : i32
    %c0_i32_1 = arith.constant 0 : i32
    return %arg0, %c0_i32, %c0_i32_0 : i32, i32, i32
  }
  func.func @transform_1(%arg0: i32) -> (i32, i32, i32) {
    %c0_i32 = arith.constant 0 : i32
    %c0_i32_0 = arith.constant 0 : i32
    %c0_i32_1 = arith.constant 0 : i32
    return %arg0, %c0_i32, %c0_i32_0 : i32, i32, i32
  }
  func.func @transform_2(%arg0: i32) -> (i32, i32) {
    %c0_i32 = arith.constant 0 : i32
    %c0_i32_0 = arith.constant 0 : i32
    %c0_i32_1 = arith.constant 0 : i32
    return %c0_i32, %c0_i32_0 : i32, i32
  }
  func.func @transform_3(%arg0: i32) -> (i32, i32) {
    %c0_i32 = arith.constant 0 : i32
    %c0_i32_0 = arith.constant 0 : i32
    %c0_i32_1 = arith.constant 0 : i32
    return %c0_i32, %c0_i32_0 : i32, i32
  }
  func.func @transform_4(%arg0: i32) -> (i32, i32) {
    %c0_i32 = arith.constant 0 : i32
    %c0_i32_0 = arith.constant 0 : i32
    %c0_i32_1 = arith.constant 0 : i32
    return %c0_i32, %c0_i32_0 : i32, i32
  }
  func.func @transform_5(%arg0: i32) -> (i32, i32) {
    %c0_i32 = arith.constant 0 : i32
    %c0_i32_0 = arith.constant 0 : i32
    %c0_i32_1 = arith.constant 0 : i32
    return %c0_i32, %c0_i32_0 : i32, i32
  }
}

module attributes {stable_mosaic.version = 14 : i64} {
  func.func @_dense_mid_kernel(%arg0: i32, %arg1: memref<2000x128xf32, #tpu.memory_space<vmem>>, %arg2: memref<1x64xf32, #tpu.memory_space<vmem>>, %arg3: memref<64x64xf32, #tpu.memory_space<vmem>>, %arg4: memref<64x64xf32, #tpu.memory_space<vmem>>, %arg5: memref<64x64xf32, #tpu.memory_space<vmem>>, %arg6: memref<2000x128xf32, #tpu.memory_space<vmem>>, %arg7: memref<2000x64xf32, #tpu.memory_space<vmem>>) attributes {dimension_semantics = [#tpu.dimension_semantics<arbitrary>], iteration_bounds = array<i64: 25>, scalar_prefetch = 0 : i64, scratch_operands = 0 : i64, tpu.core_type = #tpu.core_type<tc>, window_params = [{transform_indices = @transform_0, window_bounds = array<i64: 2000, 128>}, {pipeline_mode = #tpu.pipeline_mode<synchronous>, transform_indices = @transform_1, window_bounds = array<i64: 1, 64>}, {pipeline_mode = #tpu.pipeline_mode<synchronous>, transform_indices = @transform_2, window_bounds = array<i64: 64, 64>}, {pipeline_mode = #tpu.pipeline_mode<synchronous>, transform_indices = @transform_3, window_bounds = array<i64: 64, 64>}, {pipeline_mode = #tpu.pipeline_mode<synchronous>, transform_indices = @transform_4, window_bounds = array<i64: 64, 64>}, {transform_indices = @transform_5, window_bounds = array<i64: 2000, 128>}, {transform_indices = @transform_6, window_bounds = array<i64: 2000, 64>}]} {
    %get3A = arith.constant 0 : index
    %get3A_0 = arith.constant 0 : index
    %get3A_1 = vector.load %arg1[%get3A, %get3A_0] : memref<2000x128xf32, #tpu.memory_space<vmem>>, vector<2000x64xf32>
    %get3A_2 = arith.constant 0 : index
    %get3A_3 = arith.constant 64 : index
    %get3A_4 = vector.load %arg1[%get3A_2, %get3A_3] : memref<2000x128xf32, #tpu.memory_space<vmem>>, vector<2000x64xf32>
    %add3A = arith.constant 1.000000e-16 : f32
    %add3A_5 = vector.broadcast %add3A : f32 to vector<2000x64xf32>
    %add3A_6 = arith.addf %get3A_4, %add3A_5 : vector<2000x64xf32>
    %div3A = arith.divf %get3A_1, %add3A_6 : vector<2000x64xf32>
    %get3A_7 = arith.constant 0 : index
    %get3A_8 = arith.constant 0 : index
    %get3A_9 = vector.load %arg2[%get3A_7, %get3A_8] : memref<1x64xf32, #tpu.memory_space<vmem>>, vector<1x64xf32>
    %add3A_10 = vector.broadcast %get3A_9 : vector<1x64xf32> to vector<2000x64xf32>
    %add3A_11 = arith.addf %div3A, %add3A_10 : vector<2000x64xf32>
    %max3A = arith.constant 0.000000e+00 : f32
    %max3A_12 = vector.broadcast %max3A : f32 to vector<2000x64xf32>
    %max3A_13 = arith.maximumf %add3A_11, %max3A_12 : vector<2000x64xf32>
    %get3A_14 = arith.constant 0 : index
    %get3A_15 = arith.constant 0 : index
    %get3A_16 = vector.load %arg3[%get3A_14, %get3A_15] : memref<64x64xf32, #tpu.memory_space<vmem>>, vector<64x64xf32>
    %dot_general3A = arith.constant dense<0.000000e+00> : vector<2000x64xf32>
    %dot_general3A_17 = tpu.matmul %max3A_13, %get3A_16, %dot_general3A {dimension_numbers = #tpu.dot_dimension_numbers<[1], [0], [0], [1], [0, 0, 1, 1], [], []>, transpose_lhs_hint = false} : vector<2000x64xf32>, vector<64x64xf32>, vector<2000x64xf32> -> vector<2000x64xf32>
    %swap3A = arith.constant 0 : index
    %swap3A_18 = arith.constant 0 : index
    %swap3A_19 = vector.load %arg6[%swap3A, %swap3A_18] : memref<2000x128xf32, #tpu.memory_space<vmem>>, vector<2000x64xf32>
    tpu.vector_store %arg6[%swap3A, %swap3A_18], %dot_general3A_17 {strides = array<i32>} : memref<2000x128xf32, #tpu.memory_space<vmem>>, vector<2000x64xf32>,
    %get3A_20 = arith.constant 0 : index
    %get3A_21 = arith.constant 0 : index
    %get3A_22 = vector.load %arg4[%get3A_20, %get3A_21] : memref<64x64xf32, #tpu.memory_space<vmem>>, vector<64x64xf32>
    %dot_general3A_23 = arith.constant dense<0.000000e+00> : vector<2000x64xf32>
    %dot_general3A_24 = tpu.matmul %dot_general3A_17, %get3A_22, %dot_general3A_23 {dimension_numbers = #tpu.dot_dimension_numbers<[1], [0], [0], [1], [0, 0, 1, 1], [], []>, transpose_lhs_hint = false} : vector<2000x64xf32>, vector<64x64xf32>, vector<2000x64xf32> -> vector<2000x64xf32>
    %swap3A_25 = arith.constant 0 : index
    %swap3A_26 = arith.constant 64 : index
    %swap3A_27 = vector.load %arg6[%swap3A_25, %swap3A_26] : memref<2000x128xf32, #tpu.memory_space<vmem>>, vector<2000x64xf32>
    tpu.vector_store %arg6[%swap3A_25, %swap3A_26], %dot_general3A_24 {strides = array<i32>} : memref<2000x128xf32, #tpu.memory_space<vmem>>, vector<2000x64xf32>,
    %get3A_28 = arith.constant 0 : index
    %get3A_29 = arith.constant 0 : index
    %get3A_30 = vector.load %arg5[%get3A_28, %get3A_29] : memref<64x64xf32, #tpu.memory_space<vmem>>, vector<64x64xf32>
    %dot_general3A_31 = arith.constant dense<0.000000e+00> : vector<2000x64xf32>
    %dot_general3A_32 = tpu.matmul %dot_general3A_17, %get3A_30, %dot_general3A_31 {dimension_numbers = #tpu.dot_dimension_numbers<[1], [0], [0], [1], [0, 0, 1, 1], [], []>, transpose_lhs_hint = false} : vector<2000x64xf32>, vector<64x64xf32>, vector<2000x64xf32> -> vector<2000x64xf32>
    %swap3A_33 = arith.constant 0 : index
    %swap3A_34 = arith.constant 0 : index
    %swap3A_35 = vector.load %arg7[%swap3A_33, %swap3A_34] : memref<2000x64xf32, #tpu.memory_space<vmem>>, vector<2000x64xf32>
    tpu.vector_store %arg7[%swap3A_33, %swap3A_34], %dot_general3A_32 {strides = array<i32>} : memref<2000x64xf32, #tpu.memory_space<vmem>>, vector<2000x64xf32>,
    return
  }
  func.func @transform_0(%arg0: i32) -> (i32, i32) {
    %c0_i32 = arith.constant 0 : i32
    %c0_i32_0 = arith.constant 0 : i32
    return %arg0, %c0_i32 : i32, i32
  }
  func.func @transform_1(%arg0: i32) -> (i32, i32) {
    %c0_i32 = arith.constant 0 : i32
    %c0_i32_0 = arith.constant 0 : i32
    %c0_i32_1 = arith.constant 0 : i32
    return %c0_i32, %c0_i32_0 : i32, i32
  }
  func.func @transform_2(%arg0: i32) -> (i32, i32) {
    %c0_i32 = arith.constant 0 : i32
    %c0_i32_0 = arith.constant 0 : i32
    %c0_i32_1 = arith.constant 0 : i32
    return %c0_i32, %c0_i32_0 : i32, i32
  }
  func.func @transform_3(%arg0: i32) -> (i32, i32) {
    %c0_i32 = arith.constant 0 : i32
    %c0_i32_0 = arith.constant 0 : i32
    %c0_i32_1 = arith.constant 0 : i32
    return %c0_i32, %c0_i32_0 : i32, i32
  }
  func.func @transform_4(%arg0: i32) -> (i32, i32) {
    %c0_i32 = arith.constant 0 : i32
    %c0_i32_0 = arith.constant 0 : i32
    %c0_i32_1 = arith.constant 0 : i32
    return %c0_i32, %c0_i32_0 : i32, i32
  }
  func.func @transform_5(%arg0: i32) -> (i32, i32) {
    %c0_i32 = arith.constant 0 : i32
    %c0_i32_0 = arith.constant 0 : i32
    return %arg0, %c0_i32 : i32, i32
  }
  func.func @transform_6(%arg0: i32) -> (i32, i32) {
    %c0_i32 = arith.constant 0 : i32
    %c0_i32_0 = arith.constant 0 : i32
    return %arg0, %c0_i32 : i32, i32
  }
}

module attributes {stable_mosaic.version = 14 : i64} {
  func.func @_dense_mid_kernel(%arg0: i32, %arg1: memref<2000x128xf32, #tpu.memory_space<vmem>>, %arg2: memref<1x64xf32, #tpu.memory_space<vmem>>, %arg3: memref<64x32xf32, #tpu.memory_space<vmem>>, %arg4: memref<32x32xf32, #tpu.memory_space<vmem>>, %arg5: memref<32x32xf32, #tpu.memory_space<vmem>>, %arg6: memref<2000x64xf32, #tpu.memory_space<vmem>>, %arg7: memref<2000x32xf32, #tpu.memory_space<vmem>>) attributes {dimension_semantics = [#tpu.dimension_semantics<arbitrary>], iteration_bounds = array<i64: 25>, scalar_prefetch = 0 : i64, scratch_operands = 0 : i64, tpu.core_type = #tpu.core_type<tc>, window_params = [{transform_indices = @transform_0, window_bounds = array<i64: 2000, 128>}, {pipeline_mode = #tpu.pipeline_mode<synchronous>, transform_indices = @transform_1, window_bounds = array<i64: 1, 64>}, {pipeline_mode = #tpu.pipeline_mode<synchronous>, transform_indices = @transform_2, window_bounds = array<i64: 64, 32>}, {pipeline_mode = #tpu.pipeline_mode<synchronous>, transform_indices = @transform_3, window_bounds = array<i64: 32, 32>}, {pipeline_mode = #tpu.pipeline_mode<synchronous>, transform_indices = @transform_4, window_bounds = array<i64: 32, 32>}, {transform_indices = @transform_5, window_bounds = array<i64: 2000, 64>}, {transform_indices = @transform_6, window_bounds = array<i64: 2000, 32>}]} {
    %get3A = arith.constant 0 : index
    %get3A_0 = arith.constant 0 : index
    %get3A_1 = vector.load %arg1[%get3A, %get3A_0] : memref<2000x128xf32, #tpu.memory_space<vmem>>, vector<2000x64xf32>
    %get3A_2 = arith.constant 0 : index
    %get3A_3 = arith.constant 64 : index
    %get3A_4 = vector.load %arg1[%get3A_2, %get3A_3] : memref<2000x128xf32, #tpu.memory_space<vmem>>, vector<2000x64xf32>
    %add3A = arith.constant 1.000000e-16 : f32
    %add3A_5 = vector.broadcast %add3A : f32 to vector<2000x64xf32>
    %add3A_6 = arith.addf %get3A_4, %add3A_5 : vector<2000x64xf32>
    %div3A = arith.divf %get3A_1, %add3A_6 : vector<2000x64xf32>
    %get3A_7 = arith.constant 0 : index
    %get3A_8 = arith.constant 0 : index
    %get3A_9 = vector.load %arg2[%get3A_7, %get3A_8] : memref<1x64xf32, #tpu.memory_space<vmem>>, vector<1x64xf32>
    %add3A_10 = vector.broadcast %get3A_9 : vector<1x64xf32> to vector<2000x64xf32>
    %add3A_11 = arith.addf %div3A, %add3A_10 : vector<2000x64xf32>
    %max3A = arith.constant 0.000000e+00 : f32
    %max3A_12 = vector.broadcast %max3A : f32 to vector<2000x64xf32>
    %max3A_13 = arith.maximumf %add3A_11, %max3A_12 : vector<2000x64xf32>
    %get3A_14 = arith.constant 0 : index
    %get3A_15 = arith.constant 0 : index
    %get3A_16 = vector.load %arg3[%get3A_14, %get3A_15] : memref<64x32xf32, #tpu.memory_space<vmem>>, vector<64x32xf32>
    %dot_general3A = arith.constant dense<0.000000e+00> : vector<2000x32xf32>
    %dot_general3A_17 = tpu.matmul %max3A_13, %get3A_16, %dot_general3A {dimension_numbers = #tpu.dot_dimension_numbers<[1], [0], [0], [1], [0, 0, 1, 1], [], []>, transpose_lhs_hint = false} : vector<2000x64xf32>, vector<64x32xf32>, vector<2000x32xf32> -> vector<2000x32xf32>
    %swap3A = arith.constant 0 : index
    %swap3A_18 = arith.constant 0 : index
    %swap3A_19 = vector.load %arg6[%swap3A, %swap3A_18] : memref<2000x64xf32, #tpu.memory_space<vmem>>, vector<2000x32xf32>
    tpu.vector_store %arg6[%swap3A, %swap3A_18], %dot_general3A_17 {strides = array<i32>} : memref<2000x64xf32, #tpu.memory_space<vmem>>, vector<2000x32xf32>,
    %get3A_20 = arith.constant 0 : index
    %get3A_21 = arith.constant 0 : index
    %get3A_22 = vector.load %arg4[%get3A_20, %get3A_21] : memref<32x32xf32, #tpu.memory_space<vmem>>, vector<32x32xf32>
    %dot_general3A_23 = arith.constant dense<0.000000e+00> : vector<2000x32xf32>
    %dot_general3A_24 = tpu.matmul %dot_general3A_17, %get3A_22, %dot_general3A_23 {dimension_numbers = #tpu.dot_dimension_numbers<[1], [0], [0], [1], [0, 0, 1, 1], [], []>, transpose_lhs_hint = false} : vector<2000x32xf32>, vector<32x32xf32>, vector<2000x32xf32> -> vector<2000x32xf32>
    %swap3A_25 = arith.constant 0 : index
    %swap3A_26 = arith.constant 32 : index
    %swap3A_27 = vector.load %arg6[%swap3A_25, %swap3A_26] : memref<2000x64xf32, #tpu.memory_space<vmem>>, vector<2000x32xf32>
    tpu.vector_store %arg6[%swap3A_25, %swap3A_26], %dot_general3A_24 {strides = array<i32>} : memref<2000x64xf32, #tpu.memory_space<vmem>>, vector<2000x32xf32>,
    %get3A_28 = arith.constant 0 : index
    %get3A_29 = arith.constant 0 : index
    %get3A_30 = vector.load %arg5[%get3A_28, %get3A_29] : memref<32x32xf32, #tpu.memory_space<vmem>>, vector<32x32xf32>
    %dot_general3A_31 = arith.constant dense<0.000000e+00> : vector<2000x32xf32>
    %dot_general3A_32 = tpu.matmul %dot_general3A_17, %get3A_30, %dot_general3A_31 {dimension_numbers = #tpu.dot_dimension_numbers<[1], [0], [0], [1], [0, 0, 1, 1], [], []>, transpose_lhs_hint = false} : vector<2000x32xf32>, vector<32x32xf32>, vector<2000x32xf32> -> vector<2000x32xf32>
    %swap3A_33 = arith.constant 0 : index
    %swap3A_34 = arith.constant 0 : index
    %swap3A_35 = vector.load %arg7[%swap3A_33, %swap3A_34] : memref<2000x32xf32, #tpu.memory_space<vmem>>, vector<2000x32xf32>
    tpu.vector_store %arg7[%swap3A_33, %swap3A_34], %dot_general3A_32 {strides = array<i32>} : memref<2000x32xf32, #tpu.memory_space<vmem>>, vector<2000x32xf32>,
    return
  }
  func.func @transform_0(%arg0: i32) -> (i32, i32) {
    %c0_i32 = arith.constant 0 : i32
    %c0_i32_0 = arith.constant 0 : i32
    return %arg0, %c0_i32 : i32, i32
  }
  func.func @transform_1(%arg0: i32) -> (i32, i32) {
    %c0_i32 = arith.constant 0 : i32
    %c0_i32_0 = arith.constant 0 : i32
    %c0_i32_1 = arith.constant 0 : i32
    return %c0_i32, %c0_i32_0 : i32, i32
  }
  func.func @transform_2(%arg0: i32) -> (i32, i32) {
    %c0_i32 = arith.constant 0 : i32
    %c0_i32_0 = arith.constant 0 : i32
    %c0_i32_1 = arith.constant 0 : i32
    return %c0_i32, %c0_i32_0 : i32, i32
  }
  func.func @transform_3(%arg0: i32) -> (i32, i32) {
    %c0_i32 = arith.constant 0 : i32
    %c0_i32_0 = arith.constant 0 : i32
    %c0_i32_1 = arith.constant 0 : i32
    return %c0_i32, %c0_i32_0 : i32, i32
  }
  func.func @transform_4(%arg0: i32) -> (i32, i32) {
    %c0_i32 = arith.constant 0 : i32
    %c0_i32_0 = arith.constant 0 : i32
    %c0_i32_1 = arith.constant 0 : i32
    return %c0_i32, %c0_i32_0 : i32, i32
  }
  func.func @transform_5(%arg0: i32) -> (i32, i32) {
    %c0_i32 = arith.constant 0 : i32
    %c0_i32_0 = arith.constant 0 : i32
    return %arg0, %c0_i32 : i32, i32
  }
  func.func @transform_6(%arg0: i32) -> (i32, i32) {
    %c0_i32 = arith.constant 0 : i32
    %c0_i32_0 = arith.constant 0 : i32
    return %arg0, %c0_i32 : i32, i32
  }
}

module attributes {stable_mosaic.version = 14 : i64} {
  func.func @ek(%arg0: i32, %arg1: memref<1x1x1024xi32, #tpu.memory_space<smem>>, %arg2: memref<1x1x1024xi32, #tpu.memory_space<smem>>, %arg3: memref<50000x64xf32, #tpu.memory_space<vmem>>, %arg4: memref<25000x32xf32, #tpu.memory_space<vmem>>, %arg5: memref<25000x64xf32, #tpu.memory_space<vmem>>, %arg6: memref<25000x64xf32, #tpu.memory_space<vmem>>) attributes {dimension_semantics = [#tpu.dimension_semantics<arbitrary>], iteration_bounds = array<i64: 831>, scalar_prefetch = 0 : i64, scratch_operands = 0 : i64, tpu.core_type = #tpu.core_type<tc>, window_params = [{transform_indices = @transform_0, window_bounds = array<i64: 1, 1, 1024>}, {transform_indices = @transform_1, window_bounds = array<i64: 1, 1, 1024>}, {pipeline_mode = #tpu.pipeline_mode<synchronous>, transform_indices = @transform_2, window_bounds = array<i64: 50000, 64>}, {pipeline_mode = #tpu.pipeline_mode<synchronous>, transform_indices = @transform_3, window_bounds = array<i64: 25000, 32>}, {pipeline_mode = #tpu.pipeline_mode<synchronous>, transform_indices = @transform_4, window_bounds = array<i64: 25000, 64>}, {pipeline_mode = #tpu.pipeline_mode<synchronous>, transform_indices = @transform_5, window_bounds = array<i64: 25000, 64>}]} {
    %eq3A = arith.constant 0 : i32
    %eq3A_0 = arith.cmpi eq, %arg0, %eq3A : i32
    %convert_element_type3A = arith.extui %eq3A_0 : i1 to i32
    %cond3A = arith.constant 0 : i32
    %cond3A_1 = arith.cmpi ne, %convert_element_type3A, %cond3A : i32
    scf.if %cond3A_1 {
      %broadcast_in_dim3A = arith.constant 0.000000e+00 : f32
      %broadcast_in_dim3A_15 = vector.broadcast %broadcast_in_dim3A : f32 to vector<25000x64xf32>
      %swap3A = arith.constant 0 : index
      %swap3A_16 = arith.constant 0 : index
      %swap3A_17 = vector.load %arg5[%swap3A, %swap3A_16] : memref<25000x64xf32, #tpu.memory_space<vmem>>, vector<25000x64xf32>
      tpu.vector_store %arg5[%swap3A, %swap3A_16], %broadcast_in_dim3A_15 {strides = array<i32>} : memref<25000x64xf32, #tpu.memory_space<vmem>>, vector<25000x64xf32>,
      %broadcast_in_dim3A_18 = arith.constant 0.000000e+00 : f32
      %broadcast_in_dim3A_19 = vector.broadcast %broadcast_in_dim3A_18 : f32 to vector<25000x64xf32>
      %swap3A_20 = arith.constant 0 : index
      %swap3A_21 = arith.constant 0 : index
      %swap3A_22 = vector.load %arg6[%swap3A_20, %swap3A_21] : memref<25000x64xf32, #tpu.memory_space<vmem>>, vector<25000x64xf32>
      tpu.vector_store %arg6[%swap3A_20, %swap3A_21], %broadcast_in_dim3A_19 {strides = array<i32>} : memref<25000x64xf32, #tpu.memory_space<vmem>>, vector<25000x64xf32>,
    } else {
    }
    %mul3A = arith.constant 1024 : i32
    %mul3A_2 = arith.muli %arg0, %mul3A : i32
    %get3A = arith.constant 0 : index
    %get3A_3 = arith.constant 0 : index
    %get3A_4 = arith.constant 0 : index
    %get3A_5 = memref.load %arg2[%get3A, %get3A_3, %get3A_4] : memref<1x1x1024xi32, #tpu.memory_space<smem>>
    %get3A_6 = arith.constant 0 : index
    %get3A_7 = arith.constant 0 : index
    %get3A_8 = arith.constant 1023 : index
    %get3A_9 = memref.load %arg2[%get3A_6, %get3A_7, %get3A_8] : memref<1x1x1024xi32, #tpu.memory_space<smem>>
    %ge3A = arith.constant 0 : i32
    %ge3A_10 = arith.cmpi sge, %get3A_9, %ge3A : i32
    %lt3A = arith.constant 25000 : i32
    %lt3A_11 = arith.cmpi slt, %get3A_5, %lt3A : i32
    %and3A = arith.andi %ge3A_10, %lt3A_11 : i1
    %convert_element_type3A_12 = arith.extui %and3A : i1 to i32
    %cond3A_13 = arith.constant 0 : i32
    %cond3A_14 = arith.cmpi ne, %convert_element_type3A_12, %cond3A_13 : i32
    scf.if %cond3A_14 {
      %scan3A = arith.constant 0 : i32
      %scan3A_15 = arith.constant 512 : i32
      %scan3A_16 = arith.addi %scan3A, %scan3A_15 : i32
      %scan3A_17 = arith.constant 1 : i32
      scf.for %scan3A_19 = %scan3A to %scan3A_16 step %scan3A_17  : i32 {
        %mul3A_20 = arith.constant 2 : i32
        %mul3A_21 = arith.muli %mul3A_20, %scan3A_19 : i32
        %get3A_22 = arith.constant 0 : index
        %get3A_23 = arith.constant 0 : index
        %get3A_24 = arith.index_cast %mul3A_21 : i32 to index
        %get3A_25 = memref.load %arg1[%get3A_22, %get3A_23, %get3A_24] : memref<1x1x1024xi32, #tpu.memory_space<smem>>
        %get3A_26 = arith.constant 0 : index
        %get3A_27 = arith.constant 0 : index
        %get3A_28 = arith.index_cast %mul3A_21 : i32 to index
        %get3A_29 = memref.load %arg2[%get3A_26, %get3A_27, %get3A_28] : memref<1x1x1024xi32, #tpu.memory_space<smem>>
        %sub3A = arith.constant 0 : i32
        %sub3A_30 = arith.subi %get3A_29, %sub3A : i32
        %jit3A = arith.constant 0 : i32
        %jit3A_31 = arith.constant 24999 : i32
        %max3A = arith.maxsi %jit3A, %sub3A_30 : i32
        %min3A = arith.minsi %jit3A_31, %max3A : i32
        %get3A_32 = arith.index_cast %get3A_25 : i32 to index
        %get3A_33 = arith.constant 0 : index
        %get3A_34 = vector.load %arg3[%get3A_32, %get3A_33] : memref<50000x64xf32, #tpu.memory_space<vmem>>, vector<1x64xf32>
        %get3A_35 = arith.index_cast %min3A : i32 to index
        %get3A_36 = arith.constant 0 : index
        %get3A_37 = vector.load %arg4[%get3A_35, %get3A_36] : memref<25000x32xf32, #tpu.memory_space<vmem>>, vector<1x32xf32>
        %slice3A = vector.extract_strided_slice %get3A_34 {offsets = [0, 32], sizes = [1, 32], strides = [1, 1]} : vector<1x64xf32> to vector<1x32xf32>
        %add3A = arith.addf %slice3A, %get3A_37 : vector<1x32xf32>
        %gt3A = arith.constant 0.000000e+00 : f32
        %gt3A_38 = vector.broadcast %gt3A : f32 to vector<1x32xf32>
        %gt3A_39 = arith.cmpf ogt, %add3A, %gt3A_38 : vector<1x32xf32>
        %mul3A_40 = arith.constant 2.000000e-01 : f32
        %mul3A_41 = vector.broadcast %mul3A_40 : f32 to vector<1x32xf32>
        %mul3A_42 = arith.mulf %mul3A_41, %add3A : vector<1x32xf32>
        %select_n3A = arith.select %gt3A_39, %add3A, %mul3A_42 : vector<1x32xi1>, vector<1x32xf32>
        %exp3A = math.exp %select_n3A : vector<1x32xf32>
        %ge3A_43 = arith.constant 0 : i32
        %ge3A_44 = arith.cmpi sge, %get3A_29, %ge3A_43 : i32
        %lt3A_45 = arith.constant 25000 : i32
        %lt3A_46 = arith.cmpi slt, %get3A_29, %lt3A_45 : i32
        %and3A_47 = arith.andi %ge3A_44, %lt3A_46 : i1
        %add3A_48 = arith.addi %mul3A_2, %mul3A_21 : i32
        %lt3A_49 = arith.constant 850000 : i32
        %lt3A_50 = arith.cmpi slt, %add3A_48, %lt3A_49 : i32
        %and3A_51 = arith.andi %and3A_47, %lt3A_50 : i1
        %jit3A_52 = arith.constant 0.000000e+00 : f32
        %broadcast_in_dim3A = vector.broadcast %jit3A_52 : f32 to vector<1x32xf32>
        %select_n3A_53 = arith.select %and3A_51, %exp3A, %broadcast_in_dim3A : vector<1x32xf32>
        %slice3A_54 = vector.extract_strided_slice %get3A_34 {offsets = [0, 0], sizes = [1, 32], strides = [1, 1]} : vector<1x64xf32> to vector<1x32xf32>
        %mul3A_55 = arith.mulf %select_n3A_53, %slice3A_54 : vector<1x32xf32>
        %concatenate3A = tpu.concatenate %mul3A_55, %select_n3A_53 in 1 : vector<1x32xf32>, vector<1x32xf32> -> vector<1x64xf32>
        %get3A_56 = arith.index_cast %min3A : i32 to index
        %get3A_57 = arith.constant 0 : index
        %get3A_58 = vector.load %arg5[%get3A_56, %get3A_57] : memref<25000x64xf32, #tpu.memory_space<vmem>>, vector<1x64xf32>
        %add3A_59 = arith.addf %get3A_58, %concatenate3A : vector<1x64xf32>
        %swap3A = arith.index_cast %min3A : i32 to index
        %swap3A_60 = arith.constant 0 : index
        %swap3A_61 = vector.load %arg5[%swap3A, %swap3A_60] : memref<25000x64xf32, #tpu.memory_space<vmem>>, vector<1x64xf32>
        tpu.vector_store %arg5[%swap3A, %swap3A_60], %add3A_59 {strides = array<i32>} : memref<25000x64xf32, #tpu.memory_space<vmem>>, vector<1x64xf32>,
        %mul3A_62 = arith.constant 2 : i32
        %mul3A_63 = arith.muli %mul3A_62, %scan3A_19 : i32
        %add3A_64 = arith.constant 1 : i32
        %add3A_65 = arith.addi %mul3A_63, %add3A_64 : i32
        %get3A_66 = arith.constant 0 : index
        %get3A_67 = arith.constant 0 : index
        %get3A_68 = arith.index_cast %add3A_65 : i32 to index
        %get3A_69 = memref.load %arg1[%get3A_66, %get3A_67, %get3A_68] : memref<1x1x1024xi32, #tpu.memory_space<smem>>
        %get3A_70 = arith.constant 0 : index
        %get3A_71 = arith.constant 0 : index
        %get3A_72 = arith.index_cast %add3A_65 : i32 to index
        %get3A_73 = memref.load %arg2[%get3A_70, %get3A_71, %get3A_72] : memref<1x1x1024xi32, #tpu.memory_space<smem>>
        %sub3A_74 = arith.constant 0 : i32
        %sub3A_75 = arith.subi %get3A_73, %sub3A_74 : i32
        %jit3A_76 = arith.constant 0 : i32
        %jit3A_77 = arith.constant 24999 : i32
        %max3A_78 = arith.maxsi %jit3A_76, %sub3A_75 : i32
        %min3A_79 = arith.minsi %jit3A_77, %max3A_78 : i32
        %get3A_80 = arith.index_cast %get3A_69 : i32 to index
        %get3A_81 = arith.constant 0 : index
        %get3A_82 = vector.load %arg3[%get3A_80, %get3A_81] : memref<50000x64xf32, #tpu.memory_space<vmem>>, vector<1x64xf32>
        %get3A_83 = arith.index_cast %min3A_79 : i32 to index
        %get3A_84 = arith.constant 0 : index
        %get3A_85 = vector.load %arg4[%get3A_83, %get3A_84] : memref<25000x32xf32, #tpu.memory_space<vmem>>, vector<1x32xf32>
        %slice3A_86 = vector.extract_strided_slice %get3A_82 {offsets = [0, 32], sizes = [1, 32], strides = [1, 1]} : vector<1x64xf32> to vector<1x32xf32>
        %add3A_87 = arith.addf %slice3A_86, %get3A_85 : vector<1x32xf32>
        %gt3A_88 = arith.constant 0.000000e+00 : f32
        %gt3A_89 = vector.broadcast %gt3A_88 : f32 to vector<1x32xf32>
        %gt3A_90 = arith.cmpf ogt, %add3A_87, %gt3A_89 : vector<1x32xf32>
        %mul3A_91 = arith.constant 2.000000e-01 : f32
        %mul3A_92 = vector.broadcast %mul3A_91 : f32 to vector<1x32xf32>
        %mul3A_93 = arith.mulf %mul3A_92, %add3A_87 : vector<1x32xf32>
        %select_n3A_94 = arith.select %gt3A_90, %add3A_87, %mul3A_93 : vector<1x32xi1>, vector<1x32xf32>
        %exp3A_95 = math.exp %select_n3A_94 : vector<1x32xf32>
        %ge3A_96 = arith.constant 0 : i32
        %ge3A_97 = arith.cmpi sge, %get3A_73, %ge3A_96 : i32
        %lt3A_98 = arith.constant 25000 : i32
        %lt3A_99 = arith.cmpi slt, %get3A_73, %lt3A_98 : i32
        %and3A_100 = arith.andi %ge3A_97, %lt3A_99 : i1
        %add3A_101 = arith.addi %mul3A_2, %add3A_65 : i32
        %lt3A_102 = arith.constant 850000 : i32
        %lt3A_103 = arith.cmpi slt, %add3A_101, %lt3A_102 : i32
        %and3A_104 = arith.andi %and3A_100, %lt3A_103 : i1
        %jit3A_105 = arith.constant 0.000000e+00 : f32
        %broadcast_in_dim3A_106 = vector.broadcast %jit3A_105 : f32 to vector<1x32xf32>
        %select_n3A_107 = arith.select %and3A_104, %exp3A_95, %broadcast_in_dim3A_106 : vector<1x32xf32>
        %slice3A_108 = vector.extract_strided_slice %get3A_82 {offsets = [0, 0], sizes = [1, 32], strides = [1, 1]} : vector<1x64xf32> to vector<1x32xf32>
        %mul3A_109 = arith.mulf %select_n3A_107, %slice3A_108 : vector<1x32xf32>
        %concatenate3A_110 = tpu.concatenate %mul3A_109, %select_n3A_107 in 1 : vector<1x32xf32>, vector<1x32xf32> -> vector<1x64xf32>
        %get3A_111 = arith.index_cast %min3A_79 : i32 to index
        %get3A_112 = arith.constant 0 : index
        %get3A_113 = vector.load %arg6[%get3A_111, %get3A_112] : memref<25000x64xf32, #tpu.memory_space<vmem>>, vector<1x64xf32>
        %add3A_114 = arith.addf %get3A_113, %concatenate3A_110 : vector<1x64xf32>
        %swap3A_115 = arith.index_cast %min3A_79 : i32 to index
        %swap3A_116 = arith.constant 0 : index
        %swap3A_117 = vector.load %arg6[%swap3A_115, %swap3A_116] : memref<25000x64xf32, #tpu.memory_space<vmem>>, vector<1x64xf32>
        tpu.vector_store %arg6[%swap3A_115, %swap3A_116], %add3A_114 {strides = array<i32>} : memref<25000x64xf32, #tpu.memory_space<vmem>>, vector<1x64xf32>,
      }
      %scan3A_18 = arith.constant 512 : i32
    } else {
    }
    return
  }
  func.func @transform_0(%arg0: i32) -> (i32, i32, i32) {
    %c0_i32 = arith.constant 0 : i32
    %c0_i32_0 = arith.constant 0 : i32
    %c0_i32_1 = arith.constant 0 : i32
    return %arg0, %c0_i32, %c0_i32_0 : i32, i32, i32
  }
  func.func @transform_1(%arg0: i32) -> (i32, i32, i32) {
    %c0_i32 = arith.constant 0 : i32
    %c0_i32_0 = arith.constant 0 : i32
    %c0_i32_1 = arith.constant 0 : i32
    return %arg0, %c0_i32, %c0_i32_0 : i32, i32, i32
  }
  func.func @transform_2(%arg0: i32) -> (i32, i32) {
    %c0_i32 = arith.constant 0 : i32
    %c0_i32_0 = arith.constant 0 : i32
    %c0_i32_1 = arith.constant 0 : i32
    return %c0_i32, %c0_i32_0 : i32, i32
  }
  func.func @transform_3(%arg0: i32) -> (i32, i32) {
    %c0_i32 = arith.constant 0 : i32
    %c0_i32_0 = arith.constant 0 : i32
    %c0_i32_1 = arith.constant 0 : i32
    return %c0_i32, %c0_i32_0 : i32, i32
  }
  func.func @transform_4(%arg0: i32) -> (i32, i32) {
    %c0_i32 = arith.constant 0 : i32
    %c0_i32_0 = arith.constant 0 : i32
    %c0_i32_1 = arith.constant 0 : i32
    return %c0_i32, %c0_i32_0 : i32, i32
  }
  func.func @transform_5(%arg0: i32) -> (i32, i32) {
    %c0_i32 = arith.constant 0 : i32
    %c0_i32_0 = arith.constant 0 : i32
    %c0_i32_1 = arith.constant 0 : i32
    return %c0_i32, %c0_i32_0 : i32, i32
  }
}

module attributes {stable_mosaic.version = 14 : i64} {
  func.func @ek(%arg0: i32, %arg1: memref<1x1x1024xi32, #tpu.memory_space<smem>>, %arg2: memref<1x1x1024xi32, #tpu.memory_space<smem>>, %arg3: memref<50000x64xf32, #tpu.memory_space<vmem>>, %arg4: memref<25000x32xf32, #tpu.memory_space<vmem>>, %arg5: memref<25000x64xf32, #tpu.memory_space<vmem>>, %arg6: memref<25000x64xf32, #tpu.memory_space<vmem>>) attributes {dimension_semantics = [#tpu.dimension_semantics<arbitrary>], iteration_bounds = array<i64: 831>, scalar_prefetch = 0 : i64, scratch_operands = 0 : i64, tpu.core_type = #tpu.core_type<tc>, window_params = [{transform_indices = @transform_0, window_bounds = array<i64: 1, 1, 1024>}, {transform_indices = @transform_1, window_bounds = array<i64: 1, 1, 1024>}, {pipeline_mode = #tpu.pipeline_mode<synchronous>, transform_indices = @transform_2, window_bounds = array<i64: 50000, 64>}, {pipeline_mode = #tpu.pipeline_mode<synchronous>, transform_indices = @transform_3, window_bounds = array<i64: 25000, 32>}, {pipeline_mode = #tpu.pipeline_mode<synchronous>, transform_indices = @transform_4, window_bounds = array<i64: 25000, 64>}, {pipeline_mode = #tpu.pipeline_mode<synchronous>, transform_indices = @transform_5, window_bounds = array<i64: 25000, 64>}]} {
    %eq3A = arith.constant 0 : i32
    %eq3A_0 = arith.cmpi eq, %arg0, %eq3A : i32
    %convert_element_type3A = arith.extui %eq3A_0 : i1 to i32
    %cond3A = arith.constant 0 : i32
    %cond3A_1 = arith.cmpi ne, %convert_element_type3A, %cond3A : i32
    scf.if %cond3A_1 {
      %broadcast_in_dim3A = arith.constant 0.000000e+00 : f32
      %broadcast_in_dim3A_15 = vector.broadcast %broadcast_in_dim3A : f32 to vector<25000x64xf32>
      %swap3A = arith.constant 0 : index
      %swap3A_16 = arith.constant 0 : index
      %swap3A_17 = vector.load %arg5[%swap3A, %swap3A_16] : memref<25000x64xf32, #tpu.memory_space<vmem>>, vector<25000x64xf32>
      tpu.vector_store %arg5[%swap3A, %swap3A_16], %broadcast_in_dim3A_15 {strides = array<i32>} : memref<25000x64xf32, #tpu.memory_space<vmem>>, vector<25000x64xf32>,
      %broadcast_in_dim3A_18 = arith.constant 0.000000e+00 : f32
      %broadcast_in_dim3A_19 = vector.broadcast %broadcast_in_dim3A_18 : f32 to vector<25000x64xf32>
      %swap3A_20 = arith.constant 0 : index
      %swap3A_21 = arith.constant 0 : index
      %swap3A_22 = vector.load %arg6[%swap3A_20, %swap3A_21] : memref<25000x64xf32, #tpu.memory_space<vmem>>, vector<25000x64xf32>
      tpu.vector_store %arg6[%swap3A_20, %swap3A_21], %broadcast_in_dim3A_19 {strides = array<i32>} : memref<25000x64xf32, #tpu.memory_space<vmem>>, vector<25000x64xf32>,
    } else {
    }
    %mul3A = arith.constant 1024 : i32
    %mul3A_2 = arith.muli %arg0, %mul3A : i32
    %get3A = arith.constant 0 : index
    %get3A_3 = arith.constant 0 : index
    %get3A_4 = arith.constant 0 : index
    %get3A_5 = memref.load %arg2[%get3A, %get3A_3, %get3A_4] : memref<1x1x1024xi32, #tpu.memory_space<smem>>
    %get3A_6 = arith.constant 0 : index
    %get3A_7 = arith.constant 0 : index
    %get3A_8 = arith.constant 1023 : index
    %get3A_9 = memref.load %arg2[%get3A_6, %get3A_7, %get3A_8] : memref<1x1x1024xi32, #tpu.memory_space<smem>>
    %ge3A = arith.constant 25000 : i32
    %ge3A_10 = arith.cmpi sge, %get3A_9, %ge3A : i32
    %lt3A = arith.constant 50000 : i32
    %lt3A_11 = arith.cmpi slt, %get3A_5, %lt3A : i32
    %and3A = arith.andi %ge3A_10, %lt3A_11 : i1
    %convert_element_type3A_12 = arith.extui %and3A : i1 to i32
    %cond3A_13 = arith.constant 0 : i32
    %cond3A_14 = arith.cmpi ne, %convert_element_type3A_12, %cond3A_13 : i32
    scf.if %cond3A_14 {
      %scan3A = arith.constant 0 : i32
      %scan3A_15 = arith.constant 512 : i32
      %scan3A_16 = arith.addi %scan3A, %scan3A_15 : i32
      %scan3A_17 = arith.constant 1 : i32
      scf.for %scan3A_19 = %scan3A to %scan3A_16 step %scan3A_17  : i32 {
        %mul3A_20 = arith.constant 2 : i32
        %mul3A_21 = arith.muli %mul3A_20, %scan3A_19 : i32
        %get3A_22 = arith.constant 0 : index
        %get3A_23 = arith.constant 0 : index
        %get3A_24 = arith.index_cast %mul3A_21 : i32 to index
        %get3A_25 = memref.load %arg1[%get3A_22, %get3A_23, %get3A_24] : memref<1x1x1024xi32, #tpu.memory_space<smem>>
        %get3A_26 = arith.constant 0 : index
        %get3A_27 = arith.constant 0 : index
        %get3A_28 = arith.index_cast %mul3A_21 : i32 to index
        %get3A_29 = memref.load %arg2[%get3A_26, %get3A_27, %get3A_28] : memref<1x1x1024xi32, #tpu.memory_space<smem>>
        %sub3A = arith.constant 25000 : i32
        %sub3A_30 = arith.subi %get3A_29, %sub3A : i32
        %jit3A = arith.constant 0 : i32
        %jit3A_31 = arith.constant 24999 : i32
        %max3A = arith.maxsi %jit3A, %sub3A_30 : i32
        %min3A = arith.minsi %jit3A_31, %max3A : i32
        %get3A_32 = arith.index_cast %get3A_25 : i32 to index
        %get3A_33 = arith.constant 0 : index
        %get3A_34 = vector.load %arg3[%get3A_32, %get3A_33] : memref<50000x64xf32, #tpu.memory_space<vmem>>, vector<1x64xf32>
        %get3A_35 = arith.index_cast %min3A : i32 to index
        %get3A_36 = arith.constant 0 : index
        %get3A_37 = vector.load %arg4[%get3A_35, %get3A_36] : memref<25000x32xf32, #tpu.memory_space<vmem>>, vector<1x32xf32>
        %slice3A = vector.extract_strided_slice %get3A_34 {offsets = [0, 32], sizes = [1, 32], strides = [1, 1]} : vector<1x64xf32> to vector<1x32xf32>
        %add3A = arith.addf %slice3A, %get3A_37 : vector<1x32xf32>
        %gt3A = arith.constant 0.000000e+00 : f32
        %gt3A_38 = vector.broadcast %gt3A : f32 to vector<1x32xf32>
        %gt3A_39 = arith.cmpf ogt, %add3A, %gt3A_38 : vector<1x32xf32>
        %mul3A_40 = arith.constant 2.000000e-01 : f32
        %mul3A_41 = vector.broadcast %mul3A_40 : f32 to vector<1x32xf32>
        %mul3A_42 = arith.mulf %mul3A_41, %add3A : vector<1x32xf32>
        %select_n3A = arith.select %gt3A_39, %add3A, %mul3A_42 : vector<1x32xi1>, vector<1x32xf32>
        %exp3A = math.exp %select_n3A : vector<1x32xf32>
        %ge3A_43 = arith.constant 25000 : i32
        %ge3A_44 = arith.cmpi sge, %get3A_29, %ge3A_43 : i32
        %lt3A_45 = arith.constant 50000 : i32
        %lt3A_46 = arith.cmpi slt, %get3A_29, %lt3A_45 : i32
        %and3A_47 = arith.andi %ge3A_44, %lt3A_46 : i1
        %add3A_48 = arith.addi %mul3A_2, %mul3A_21 : i32
        %lt3A_49 = arith.constant 850000 : i32
        %lt3A_50 = arith.cmpi slt, %add3A_48, %lt3A_49 : i32
        %and3A_51 = arith.andi %and3A_47, %lt3A_50 : i1
        %jit3A_52 = arith.constant 0.000000e+00 : f32
        %broadcast_in_dim3A = vector.broadcast %jit3A_52 : f32 to vector<1x32xf32>
        %select_n3A_53 = arith.select %and3A_51, %exp3A, %broadcast_in_dim3A : vector<1x32xf32>
        %slice3A_54 = vector.extract_strided_slice %get3A_34 {offsets = [0, 0], sizes = [1, 32], strides = [1, 1]} : vector<1x64xf32> to vector<1x32xf32>
        %mul3A_55 = arith.mulf %select_n3A_53, %slice3A_54 : vector<1x32xf32>
        %concatenate3A = tpu.concatenate %mul3A_55, %select_n3A_53 in 1 : vector<1x32xf32>, vector<1x32xf32> -> vector<1x64xf32>
        %get3A_56 = arith.index_cast %min3A : i32 to index
        %get3A_57 = arith.constant 0 : index
        %get3A_58 = vector.load %arg5[%get3A_56, %get3A_57] : memref<25000x64xf32, #tpu.memory_space<vmem>>, vector<1x64xf32>
        %add3A_59 = arith.addf %get3A_58, %concatenate3A : vector<1x64xf32>
        %swap3A = arith.index_cast %min3A : i32 to index
        %swap3A_60 = arith.constant 0 : index
        %swap3A_61 = vector.load %arg5[%swap3A, %swap3A_60] : memref<25000x64xf32, #tpu.memory_space<vmem>>, vector<1x64xf32>
        tpu.vector_store %arg5[%swap3A, %swap3A_60], %add3A_59 {strides = array<i32>} : memref<25000x64xf32, #tpu.memory_space<vmem>>, vector<1x64xf32>,
        %mul3A_62 = arith.constant 2 : i32
        %mul3A_63 = arith.muli %mul3A_62, %scan3A_19 : i32
        %add3A_64 = arith.constant 1 : i32
        %add3A_65 = arith.addi %mul3A_63, %add3A_64 : i32
        %get3A_66 = arith.constant 0 : index
        %get3A_67 = arith.constant 0 : index
        %get3A_68 = arith.index_cast %add3A_65 : i32 to index
        %get3A_69 = memref.load %arg1[%get3A_66, %get3A_67, %get3A_68] : memref<1x1x1024xi32, #tpu.memory_space<smem>>
        %get3A_70 = arith.constant 0 : index
        %get3A_71 = arith.constant 0 : index
        %get3A_72 = arith.index_cast %add3A_65 : i32 to index
        %get3A_73 = memref.load %arg2[%get3A_70, %get3A_71, %get3A_72] : memref<1x1x1024xi32, #tpu.memory_space<smem>>
        %sub3A_74 = arith.constant 25000 : i32
        %sub3A_75 = arith.subi %get3A_73, %sub3A_74 : i32
        %jit3A_76 = arith.constant 0 : i32
        %jit3A_77 = arith.constant 24999 : i32
        %max3A_78 = arith.maxsi %jit3A_76, %sub3A_75 : i32
        %min3A_79 = arith.minsi %jit3A_77, %max3A_78 : i32
        %get3A_80 = arith.index_cast %get3A_69 : i32 to index
        %get3A_81 = arith.constant 0 : index
        %get3A_82 = vector.load %arg3[%get3A_80, %get3A_81] : memref<50000x64xf32, #tpu.memory_space<vmem>>, vector<1x64xf32>
        %get3A_83 = arith.index_cast %min3A_79 : i32 to index
        %get3A_84 = arith.constant 0 : index
        %get3A_85 = vector.load %arg4[%get3A_83, %get3A_84] : memref<25000x32xf32, #tpu.memory_space<vmem>>, vector<1x32xf32>
        %slice3A_86 = vector.extract_strided_slice %get3A_82 {offsets = [0, 32], sizes = [1, 32], strides = [1, 1]} : vector<1x64xf32> to vector<1x32xf32>
        %add3A_87 = arith.addf %slice3A_86, %get3A_85 : vector<1x32xf32>
        %gt3A_88 = arith.constant 0.000000e+00 : f32
        %gt3A_89 = vector.broadcast %gt3A_88 : f32 to vector<1x32xf32>
        %gt3A_90 = arith.cmpf ogt, %add3A_87, %gt3A_89 : vector<1x32xf32>
        %mul3A_91 = arith.constant 2.000000e-01 : f32
        %mul3A_92 = vector.broadcast %mul3A_91 : f32 to vector<1x32xf32>
        %mul3A_93 = arith.mulf %mul3A_92, %add3A_87 : vector<1x32xf32>
        %select_n3A_94 = arith.select %gt3A_90, %add3A_87, %mul3A_93 : vector<1x32xi1>, vector<1x32xf32>
        %exp3A_95 = math.exp %select_n3A_94 : vector<1x32xf32>
        %ge3A_96 = arith.constant 25000 : i32
        %ge3A_97 = arith.cmpi sge, %get3A_73, %ge3A_96 : i32
        %lt3A_98 = arith.constant 50000 : i32
        %lt3A_99 = arith.cmpi slt, %get3A_73, %lt3A_98 : i32
        %and3A_100 = arith.andi %ge3A_97, %lt3A_99 : i1
        %add3A_101 = arith.addi %mul3A_2, %add3A_65 : i32
        %lt3A_102 = arith.constant 850000 : i32
        %lt3A_103 = arith.cmpi slt, %add3A_101, %lt3A_102 : i32
        %and3A_104 = arith.andi %and3A_100, %lt3A_103 : i1
        %jit3A_105 = arith.constant 0.000000e+00 : f32
        %broadcast_in_dim3A_106 = vector.broadcast %jit3A_105 : f32 to vector<1x32xf32>
        %select_n3A_107 = arith.select %and3A_104, %exp3A_95, %broadcast_in_dim3A_106 : vector<1x32xf32>
        %slice3A_108 = vector.extract_strided_slice %get3A_82 {offsets = [0, 0], sizes = [1, 32], strides = [1, 1]} : vector<1x64xf32> to vector<1x32xf32>
        %mul3A_109 = arith.mulf %select_n3A_107, %slice3A_108 : vector<1x32xf32>
        %concatenate3A_110 = tpu.concatenate %mul3A_109, %select_n3A_107 in 1 : vector<1x32xf32>, vector<1x32xf32> -> vector<1x64xf32>
        %get3A_111 = arith.index_cast %min3A_79 : i32 to index
        %get3A_112 = arith.constant 0 : index
        %get3A_113 = vector.load %arg6[%get3A_111, %get3A_112] : memref<25000x64xf32, #tpu.memory_space<vmem>>, vector<1x64xf32>
        %add3A_114 = arith.addf %get3A_113, %concatenate3A_110 : vector<1x64xf32>
        %swap3A_115 = arith.index_cast %min3A_79 : i32 to index
        %swap3A_116 = arith.constant 0 : index
        %swap3A_117 = vector.load %arg6[%swap3A_115, %swap3A_116] : memref<25000x64xf32, #tpu.memory_space<vmem>>, vector<1x64xf32>
        tpu.vector_store %arg6[%swap3A_115, %swap3A_116], %add3A_114 {strides = array<i32>} : memref<25000x64xf32, #tpu.memory_space<vmem>>, vector<1x64xf32>,
      }
      %scan3A_18 = arith.constant 512 : i32
    } else {
    }
    return
  }
  func.func @transform_0(%arg0: i32) -> (i32, i32, i32) {
    %c0_i32 = arith.constant 0 : i32
    %c0_i32_0 = arith.constant 0 : i32
    %c0_i32_1 = arith.constant 0 : i32
    return %arg0, %c0_i32, %c0_i32_0 : i32, i32, i32
  }
  func.func @transform_1(%arg0: i32) -> (i32, i32, i32) {
    %c0_i32 = arith.constant 0 : i32
    %c0_i32_0 = arith.constant 0 : i32
    %c0_i32_1 = arith.constant 0 : i32
    return %arg0, %c0_i32, %c0_i32_0 : i32, i32, i32
  }
  func.func @transform_2(%arg0: i32) -> (i32, i32) {
    %c0_i32 = arith.constant 0 : i32
    %c0_i32_0 = arith.constant 0 : i32
    %c0_i32_1 = arith.constant 0 : i32
    return %c0_i32, %c0_i32_0 : i32, i32
  }
  func.func @transform_3(%arg0: i32) -> (i32, i32) {
    %c0_i32 = arith.constant 0 : i32
    %c0_i32_0 = arith.constant 0 : i32
    %c0_i32_1 = arith.constant 0 : i32
    return %c0_i32, %c0_i32_0 : i32, i32
  }
  func.func @transform_4(%arg0: i32) -> (i32, i32) {
    %c0_i32 = arith.constant 0 : i32
    %c0_i32_0 = arith.constant 0 : i32
    %c0_i32_1 = arith.constant 0 : i32
    return %c0_i32, %c0_i32_0 : i32, i32
  }
  func.func @transform_5(%arg0: i32) -> (i32, i32) {
    %c0_i32 = arith.constant 0 : i32
    %c0_i32_0 = arith.constant 0 : i32
    %c0_i32_1 = arith.constant 0 : i32
    return %c0_i32, %c0_i32_0 : i32, i32
  }
}

module attributes {stable_mosaic.version = 14 : i64} {
  func.func @_heads_kernel(%arg0: i32, %arg1: memref<2000x64xf32, #tpu.memory_space<vmem>>, %arg2: memref<1x32xf32, #tpu.memory_space<vmem>>, %arg3: memref<2000x8xf32, #tpu.memory_space<vmem>>, %arg4: memref<32x32xf32, #tpu.memory_space<vmem>>, %arg5: memref<1x32xf32, #tpu.memory_space<vmem>>, %arg6: memref<32x16xf32, #tpu.memory_space<vmem>>, %arg7: memref<1x16xf32, #tpu.memory_space<vmem>>, %arg8: memref<16x8xf32, #tpu.memory_space<vmem>>, %arg9: memref<1x8xf32, #tpu.memory_space<vmem>>, %arg10: memref<32x8xf32, #tpu.memory_space<vmem>>, %arg11: memref<1x8xf32, #tpu.memory_space<vmem>>, %arg12: memref<8x8xf32, #tpu.memory_space<vmem>>, %arg13: memref<1x8xf32, #tpu.memory_space<vmem>>, %arg14: memref<2000x32xf32, #tpu.memory_space<vmem>>, %arg15: memref<2000x8xf32, #tpu.memory_space<vmem>>, %arg16: memref<2000x8xf32, #tpu.memory_space<vmem>>, %arg17: memref<2000x8xf32, #tpu.memory_space<vmem>>, %arg18: memref<2000x8xf32, #tpu.memory_space<vmem>>, %arg19: memref<2000x8xi32, #tpu.memory_space<vmem>>) attributes {dimension_semantics = [#tpu.dimension_semantics<arbitrary>], iteration_bounds = array<i64: 25>, scalar_prefetch = 0 : i64, scratch_operands = 0 : i64, tpu.core_type = #tpu.core_type<tc>, window_params = [{transform_indices = @transform_0, window_bounds = array<i64: 2000, 64>}, {pipeline_mode = #tpu.pipeline_mode<synchronous>, transform_indices = @transform_1, window_bounds = array<i64: 1, 32>}, {transform_indices = @transform_2, window_bounds = array<i64: 2000, 8>}, {pipeline_mode = #tpu.pipeline_mode<synchronous>, transform_indices = @transform_3, window_bounds = array<i64: 32, 32>}, {pipeline_mode = #tpu.pipeline_mode<synchronous>, transform_indices = @transform_4, window_bounds = array<i64: 1, 32>}, {pipeline_mode = #tpu.pipeline_mode<synchronous>, transform_indices = @transform_5, window_bounds = array<i64: 32, 16>}, {pipeline_mode = #tpu.pipeline_mode<synchronous>, transform_indices = @transform_6, window_bounds = array<i64: 1, 16>}, {pipeline_mode = #tpu.pipeline_mode<synchronous>, transform_indices = @transform_7, window_bounds = array<i64: 16, 8>}, {pipeline_mode = #tpu.pipeline_mode<synchronous>, transform_indices = @transform_8, window_bounds = array<i64: 1, 8>}, {pipeline_mode = #tpu.pipeline_mode<synchronous>, transform_indices = @transform_9, window_bounds = array<i64: 32, 8>}, {pipeline_mode = #tpu.pipeline_mode<synchronous>, transform_indices = @transform_10, window_bounds = array<i64: 1, 8>}, {pipeline_mode = #tpu.pipeline_mode<synchronous>, transform_indices = @transform_11, window_bounds = array<i64: 8, 8>}, {pipeline_mode = #tpu.pipeline_mode<synchronous>, transform_indices = @transform_12, window_bounds = array<i64: 1, 8>}, {transform_indices = @transform_13, window_bounds = array<i64: 2000, 32>}, {transform_indices = @transform_14, window_bounds = array<i64: 2000, 8>}, {transform_indices = @transform_15, window_bounds = array<i64: 2000, 8>}, {transform_indices = @transform_16, window_bounds = array<i64: 2000, 8>}, {transform_indices = @transform_17, window_bounds = array<i64: 2000, 8>}, {transform_indices = @transform_18, window_bounds = array<i64: 2000, 8>}]} {
    %get3A = arith.constant 0 : index
    %get3A_0 = arith.constant 0 : index
    %get3A_1 = vector.load %arg1[%get3A, %get3A_0] : memref<2000x64xf32, #tpu.memory_space<vmem>>, vector<2000x32xf32>
    %get3A_2 = arith.constant 0 : index
    %get3A_3 = arith.constant 32 : index
    %get3A_4 = vector.load %arg1[%get3A_2, %get3A_3] : memref<2000x64xf32, #tpu.memory_space<vmem>>, vector<2000x32xf32>
    %add3A = arith.constant 1.000000e-16 : f32
    %add3A_5 = vector.broadcast %add3A : f32 to vector<2000x32xf32>
    %add3A_6 = arith.addf %get3A_4, %add3A_5 : vector<2000x32xf32>
    %div3A = arith.divf %get3A_1, %add3A_6 : vector<2000x32xf32>
    %get3A_7 = arith.constant 0 : index
    %get3A_8 = arith.constant 0 : index
    %get3A_9 = vector.load %arg2[%get3A_7, %get3A_8] : memref<1x32xf32, #tpu.memory_space<vmem>>, vector<1x32xf32>
    %add3A_10 = vector.broadcast %get3A_9 : vector<1x32xf32> to vector<2000x32xf32>
    %add3A_11 = arith.addf %div3A, %add3A_10 : vector<2000x32xf32>
    %swap3A = arith.constant 0 : index
    %swap3A_12 = arith.constant 0 : index
    %swap3A_13 = vector.load %arg14[%swap3A, %swap3A_12] : memref<2000x32xf32, #tpu.memory_space<vmem>>, vector<2000x32xf32>
    tpu.vector_store %arg14[%swap3A, %swap3A_12], %add3A_11 {strides = array<i32>} : memref<2000x32xf32, #tpu.memory_space<vmem>>, vector<2000x32xf32>,
    %get3A_14 = arith.constant 0 : index
    %get3A_15 = arith.constant 0 : index
    %get3A_16 = vector.load %arg4[%get3A_14, %get3A_15] : memref<32x32xf32, #tpu.memory_space<vmem>>, vector<32x32xf32>
    %dot_general3A = arith.constant dense<0.000000e+00> : vector<2000x32xf32>
    %dot_general3A_17 = tpu.matmul %add3A_11, %get3A_16, %dot_general3A {dimension_numbers = #tpu.dot_dimension_numbers<[1], [0], [0], [1], [0, 0, 1, 1], [], []>, transpose_lhs_hint = false} : vector<2000x32xf32>, vector<32x32xf32>, vector<2000x32xf32> -> vector<2000x32xf32>
    %get3A_18 = arith.constant 0 : index
    %get3A_19 = arith.constant 0 : index
    %get3A_20 = vector.load %arg5[%get3A_18, %get3A_19] : memref<1x32xf32, #tpu.memory_space<vmem>>, vector<1x32xf32>
    %add3A_21 = vector.broadcast %get3A_20 : vector<1x32xf32> to vector<2000x32xf32>
    %add3A_22 = arith.addf %dot_general3A_17, %add3A_21 : vector<2000x32xf32>
    %max3A = arith.constant 0.000000e+00 : f32
    %max3A_23 = vector.broadcast %max3A : f32 to vector<2000x32xf32>
    %max3A_24 = arith.maximumf %add3A_22, %max3A_23 : vector<2000x32xf32>
    %get3A_25 = arith.constant 0 : index
    %get3A_26 = arith.constant 0 : index
    %get3A_27 = vector.load %arg6[%get3A_25, %get3A_26] : memref<32x16xf32, #tpu.memory_space<vmem>>, vector<32x16xf32>
    %dot_general3A_28 = arith.constant dense<0.000000e+00> : vector<2000x16xf32>
    %dot_general3A_29 = tpu.matmul %max3A_24, %get3A_27, %dot_general3A_28 {dimension_numbers = #tpu.dot_dimension_numbers<[1], [0], [0], [1], [0, 0, 1, 1], [], []>, transpose_lhs_hint = false} : vector<2000x32xf32>, vector<32x16xf32>, vector<2000x16xf32> -> vector<2000x16xf32>
    %get3A_30 = arith.constant 0 : index
    %get3A_31 = arith.constant 0 : index
    %get3A_32 = vector.load %arg7[%get3A_30, %get3A_31] : memref<1x16xf32, #tpu.memory_space<vmem>>, vector<1x16xf32>
    %add3A_33 = vector.broadcast %get3A_32 : vector<1x16xf32> to vector<2000x16xf32>
    %add3A_34 = arith.addf %dot_general3A_29, %add3A_33 : vector<2000x16xf32>
    %max3A_35 = arith.constant 0.000000e+00 : f32
    %max3A_36 = vector.broadcast %max3A_35 : f32 to vector<2000x16xf32>
    %max3A_37 = arith.maximumf %add3A_34, %max3A_36 : vector<2000x16xf32>
    %get3A_38 = arith.constant 0 : index
    %get3A_39 = arith.constant 0 : index
    %get3A_40 = vector.load %arg8[%get3A_38, %get3A_39] : memref<16x8xf32, #tpu.memory_space<vmem>>, vector<16x8xf32>
    %dot_general3A_41 = arith.constant dense<0.000000e+00> : vector<2000x8xf32>
    %dot_general3A_42 = tpu.matmul %max3A_37, %get3A_40, %dot_general3A_41 {dimension_numbers = #tpu.dot_dimension_numbers<[1], [0], [0], [1], [0, 0, 1, 1], [], []>, transpose_lhs_hint = false} : vector<2000x16xf32>, vector<16x8xf32>, vector<2000x8xf32> -> vector<2000x8xf32>
    %get3A_43 = arith.constant 0 : index
    %get3A_44 = arith.constant 0 : index
    %get3A_45 = vector.load %arg9[%get3A_43, %get3A_44] : memref<1x8xf32, #tpu.memory_space<vmem>>, vector<1x8xf32>
    %add3A_46 = vector.broadcast %get3A_45 : vector<1x8xf32> to vector<2000x8xf32>
    %add3A_47 = arith.addf %dot_general3A_42, %add3A_46 : vector<2000x8xf32>
    %swap3A_48 = arith.constant 0 : index
    %swap3A_49 = arith.constant 0 : index
    %swap3A_50 = vector.load %arg15[%swap3A_48, %swap3A_49] : memref<2000x8xf32, #tpu.memory_space<vmem>>, vector<2000x8xf32>
    tpu.vector_store %arg15[%swap3A_48, %swap3A_49], %add3A_47 {strides = array<i32>} : memref<2000x8xf32, #tpu.memory_space<vmem>>, vector<2000x8xf32>,
    %get3A_51 = arith.constant 0 : index
    %get3A_52 = arith.constant 0 : index
    %get3A_53 = vector.load %arg3[%get3A_51, %get3A_52] : memref<2000x8xf32, #tpu.memory_space<vmem>>, vector<2000x8xf32>
    %add3A_54 = arith.addf %add3A_47, %get3A_53 : vector<2000x8xf32>
    %swap3A_55 = arith.constant 0 : index
    %swap3A_56 = arith.constant 0 : index
    %swap3A_57 = vector.load %arg16[%swap3A_55, %swap3A_56] : memref<2000x8xf32, #tpu.memory_space<vmem>>, vector<2000x8xf32>
    tpu.vector_store %arg16[%swap3A_55, %swap3A_56], %add3A_54 {strides = array<i32>} : memref<2000x8xf32, #tpu.memory_space<vmem>>, vector<2000x8xf32>,
    %mul3A = arith.mulf %add3A_47, %add3A_47 : vector<2000x8xf32>
    %reduce_sum3A = arith.constant dense<0.000000e+00> : vector<2000xf32>
    %reduce_sum3A_58 = vector.multi_reduction <add>, %mul3A, %reduce_sum3A [1] : vector<2000x8xf32> to vector<2000xf32>
    %broadcast_in_dim3A = vector.shape_cast %reduce_sum3A_58 : vector<2000xf32> to vector<2000x1xf32>
    %sqrt3A = math.sqrt %broadcast_in_dim3A : vector<2000x1xf32>
    %broadcast_in_dim3A_59 = vector.shape_cast %sqrt3A : vector<2000x1xf32> to vector<2000x1xf32>
    %broadcast_in_dim3A_60 = vector.broadcast %broadcast_in_dim3A_59 : vector<2000x1xf32> to vector<2000x8xf32>
    %swap3A_61 = arith.constant 0 : index
    %swap3A_62 = arith.constant 0 : index
    %swap3A_63 = vector.load %arg17[%swap3A_61, %swap3A_62] : memref<2000x8xf32, #tpu.memory_space<vmem>>, vector<2000x8xf32>
    tpu.vector_store %arg17[%swap3A_61, %swap3A_62], %broadcast_in_dim3A_60 {strides = array<i32>} : memref<2000x8xf32, #tpu.memory_space<vmem>>, vector<2000x8xf32>,
    %get3A_64 = arith.constant 0 : index
    %get3A_65 = arith.constant 0 : index
    %get3A_66 = vector.load %arg10[%get3A_64, %get3A_65] : memref<32x8xf32, #tpu.memory_space<vmem>>, vector<32x8xf32>
    %dot_general3A_67 = arith.constant dense<0.000000e+00> : vector<2000x8xf32>
    %dot_general3A_68 = tpu.matmul %add3A_11, %get3A_66, %dot_general3A_67 {dimension_numbers = #tpu.dot_dimension_numbers<[1], [0], [0], [1], [0, 0, 1, 1], [], []>, transpose_lhs_hint = false} : vector<2000x32xf32>, vector<32x8xf32>, vector<2000x8xf32> -> vector<2000x8xf32>
    %get3A_69 = arith.constant 0 : index
    %get3A_70 = arith.constant 0 : index
    %get3A_71 = vector.load %arg11[%get3A_69, %get3A_70] : memref<1x8xf32, #tpu.memory_space<vmem>>, vector<1x8xf32>
    %add3A_72 = vector.broadcast %get3A_71 : vector<1x8xf32> to vector<2000x8xf32>
    %add3A_73 = arith.addf %dot_general3A_68, %add3A_72 : vector<2000x8xf32>
    %max3A_74 = arith.constant 0.000000e+00 : f32
    %max3A_75 = vector.broadcast %max3A_74 : f32 to vector<2000x8xf32>
    %max3A_76 = arith.maximumf %add3A_73, %max3A_75 : vector<2000x8xf32>
    %get3A_77 = arith.constant 0 : index
    %get3A_78 = arith.constant 0 : index
    %get3A_79 = vector.load %arg12[%get3A_77, %get3A_78] : memref<8x8xf32, #tpu.memory_space<vmem>>, vector<8x8xf32>
    %dot_general3A_80 = arith.constant dense<0.000000e+00> : vector<2000x8xf32>
    %dot_general3A_81 = tpu.matmul %max3A_76, %get3A_79, %dot_general3A_80 {dimension_numbers = #tpu.dot_dimension_numbers<[1], [0], [0], [1], [0, 0, 1, 1], [], []>, transpose_lhs_hint = false} : vector<2000x8xf32>, vector<8x8xf32>, vector<2000x8xf32> -> vector<2000x8xf32>
    %get3A_82 = arith.constant 0 : index
    %get3A_83 = arith.constant 0 : index
    %get3A_84 = vector.load %arg13[%get3A_82, %get3A_83] : memref<1x8xf32, #tpu.memory_space<vmem>>, vector<1x8xf32>
    %add3A_85 = vector.broadcast %get3A_84 : vector<1x8xf32> to vector<2000x8xf32>
    %add3A_86 = arith.addf %dot_general3A_81, %add3A_85 : vector<2000x8xf32>
    %logistic3A = arith.negf %add3A_86 : vector<2000x8xf32>
    %logistic3A_87 = math.exp %logistic3A : vector<2000x8xf32>
    %logistic3A_88 = arith.constant 1.000000e+00 : f32
    %logistic3A_89 = vector.broadcast %logistic3A_88 : f32 to vector<2000x8xf32>
    %logistic3A_90 = arith.addf %logistic3A_89, %logistic3A_87 : vector<2000x8xf32>
    %logistic3A_91 = arith.divf %logistic3A_89, %logistic3A_90 : vector<2000x8xf32>
    %swap3A_92 = arith.constant 0 : index
    %swap3A_93 = arith.constant 0 : index
    %swap3A_94 = vector.load %arg18[%swap3A_92, %swap3A_93] : memref<2000x8xf32, #tpu.memory_space<vmem>>, vector<2000x8xf32>
    tpu.vector_store %arg18[%swap3A_92, %swap3A_93], %logistic3A_91 {strides = array<i32>} : memref<2000x8xf32, #tpu.memory_space<vmem>>, vector<2000x8xf32>,
    %ge3A = arith.constant 2.500000e+00 : f32
    %ge3A_95 = vector.broadcast %ge3A : f32 to vector<2000x8xf32>
    %ge3A_96 = arith.cmpf oge, %broadcast_in_dim3A_60, %ge3A_95 : vector<2000x8xf32>
    %convert_element_type3A = arith.extui %ge3A_96 : vector<2000x8xi1> to vector<2000x8xi32>
    %swap3A_97 = arith.constant 0 : index
    %swap3A_98 = arith.constant 0 : index
    %swap3A_99 = vector.load %arg19[%swap3A_97, %swap3A_98] : memref<2000x8xi32, #tpu.memory_space<vmem>>, vector<2000x8xi32>
    tpu.vector_store %arg19[%swap3A_97, %swap3A_98], %convert_element_type3A {strides = array<i32>} : memref<2000x8xi32, #tpu.memory_space<vmem>>, vector<2000x8xi32>,
    return
  }
  func.func @transform_0(%arg0: i32) -> (i32, i32) {
    %c0_i32 = arith.constant 0 : i32
    %c0_i32_0 = arith.constant 0 : i32
    return %arg0, %c0_i32 : i32, i32
  }
  func.func @transform_1(%arg0: i32) -> (i32, i32) {
    %c0_i32 = arith.constant 0 : i32
    %c0_i32_0 = arith.constant 0 : i32
    %c0_i32_1 = arith.constant 0 : i32
    return %c0_i32, %c0_i32_0 : i32, i32
  }
  func.func @transform_2(%arg0: i32) -> (i32, i32) {
    %c0_i32 = arith.constant 0 : i32
    %c0_i32_0 = arith.constant 0 : i32
    return %arg0, %c0_i32 : i32, i32
  }
  func.func @transform_3(%arg0: i32) -> (i32, i32) {
    %c0_i32 = arith.constant 0 : i32
    %c0_i32_0 = arith.constant 0 : i32
    %c0_i32_1 = arith.constant 0 : i32
    return %c0_i32, %c0_i32_0 : i32, i32
  }
  func.func @transform_4(%arg0: i32) -> (i32, i32) {
    %c0_i32 = arith.constant 0 : i32
    %c0_i32_0 = arith.constant 0 : i32
    %c0_i32_1 = arith.constant 0 : i32
    return %c0_i32, %c0_i32_0 : i32, i32
  }
  func.func @transform_5(%arg0: i32) -> (i32, i32) {
    %c0_i32 = arith.constant 0 : i32
    %c0_i32_0 = arith.constant 0 : i32
    %c0_i32_1 = arith.constant 0 : i32
    return %c0_i32, %c0_i32_0 : i32, i32
  }
  func.func @transform_6(%arg0: i32) -> (i32, i32) {
    %c0_i32 = arith.constant 0 : i32
    %c0_i32_0 = arith.constant 0 : i32
    %c0_i32_1 = arith.constant 0 : i32
    return %c0_i32, %c0_i32_0 : i32, i32
  }
  func.func @transform_7(%arg0: i32) -> (i32, i32) {
    %c0_i32 = arith.constant 0 : i32
    %c0_i32_0 = arith.constant 0 : i32
    %c0_i32_1 = arith.constant 0 : i32
    return %c0_i32, %c0_i32_0 : i32, i32
  }
  func.func @transform_8(%arg0: i32) -> (i32, i32) {
    %c0_i32 = arith.constant 0 : i32
    %c0_i32_0 = arith.constant 0 : i32
    %c0_i32_1 = arith.constant 0 : i32
    return %c0_i32, %c0_i32_0 : i32, i32
  }
  func.func @transform_9(%arg0: i32) -> (i32, i32) {
    %c0_i32 = arith.constant 0 : i32
    %c0_i32_0 = arith.constant 0 : i32
    %c0_i32_1 = arith.constant 0 : i32
    return %c0_i32, %c0_i32_0 : i32, i32
  }
  func.func @transform_10(%arg0: i32) -> (i32, i32) {
    %c0_i32 = arith.constant 0 : i32
    %c0_i32_0 = arith.constant 0 : i32
    %c0_i32_1 = arith.constant 0 : i32
    return %c0_i32, %c0_i32_0 : i32, i32
  }
  func.func @transform_11(%arg0: i32) -> (i32, i32) {
    %c0_i32 = arith.constant 0 : i32
    %c0_i32_0 = arith.constant 0 : i32
    %c0_i32_1 = arith.constant 0 : i32
    return %c0_i32, %c0_i32_0 : i32, i32
  }
  func.func @transform_12(%arg0: i32) -> (i32, i32) {
    %c0_i32 = arith.constant 0 : i32
    %c0_i32_0 = arith.constant 0 : i32
    %c0_i32_1 = arith.constant 0 : i32
    return %c0_i32, %c0_i32_0 : i32, i32
  }
  func.func @transform_13(%arg0: i32) -> (i32, i32) {
    %c0_i32 = arith.constant 0 : i32
    %c0_i32_0 = arith.constant 0 : i32
    return %arg0, %c0_i32 : i32, i32
  }
  func.func @transform_14(%arg0: i32) -> (i32, i32) {
    %c0_i32 = arith.constant 0 : i32
    %c0_i32_0 = arith.constant 0 : i32
    return %arg0, %c0_i32 : i32, i32
  }
  func.func @transform_15(%arg0: i32) -> (i32, i32) {
    %c0_i32 = arith.constant 0 : i32
    %c0_i32_0 = arith.constant 0 : i32
    return %arg0, %c0_i32 : i32, i32
  }
  func.func @transform_16(%arg0: i32) -> (i32, i32) {
    %c0_i32 = arith.constant 0 : i32
    %c0_i32_0 = arith.constant 0 : i32
    return %arg0, %c0_i32 : i32, i32
  }
  func.func @transform_17(%arg0: i32) -> (i32, i32) {
    %c0_i32 = arith.constant 0 : i32
    %c0_i32_0 = arith.constant 0 : i32
    return %arg0, %c0_i32 : i32, i32
  }
  func.func @transform_18(%arg0: i32) -> (i32, i32) {
    %c0_i32 = arith.constant 0 : i32
    %c0_i32_0 = arith.constant 0 : i32
    return %arg0, %c0_i32 : i32, i32
  }
}

</mosaic_0001>

<sc_bundles>
// kernel: gather_offload_async_start.1
scs
__scs_entry_jumppad:
0x0: {  	(pc) =	sbr.rel $0x88, $3  }
0x1: {  	(tag) =	ssettag $0x0;
	lr =	simm.s32 $0x1  }
0x2: {  	[smem:$0x3F89] =	sst lr;
	_ =	strace $0xD0000000  }
0x3: {  	_ = 	snop  }
0x4: {  	_ = 	snop  }
0x5: {  	_ = 	snop  }
0x6: {  	_ = 	snop  }
0x7: {  	_ = 	snop  }
__scs_overlays_trampoline_lowered:
0x8: {  	[smem:$0x3F98] =	sst s0  }
0x9: {  	[smem:$0x3F99] =	sst s1  }
0xa: {  	[smem:$0x3F9A] =	sst s2  }
0xb: {  	[smem:$0x3F9B] =	sst s3  }
0xc: {  	[smem:$0x3F9C] =	sst s4  }
0xd: {  	[smem:$0x3F9D] =	sst s5  }
0xe: {  	[smem:$0x3F9E] =	sst s6  }
0xf: {  	[smem:$0x3F9F] =	sst s7  }
0x10: {  	[smem:$0x3FA0] =	sst s8  }
0x11: {  	[smem:$0x3FA1] =	sst s9;
	s0 =	simm.s32 @!p0 $0x0  }
0x12: {  	s1 =	sld [smem:$0x3F87];
	s0 =	simm.s32 @p0 $0x1  }
0x13: {  	[smem:$0x3FA2] =	sst s0;
	s0 =	simm.s32 @!p1 $0x0  }
0x14: {  	s2 =	sld [smem:$0x3F86];
	s0 =	simm.s32 @p1 $0x1  }
0x15: {  	[smem:$0x3FA3] =	sst s0;
	s0 =	simm.s32 @!p2 $0x0  }
0x16: {  	s3 =	sld [smem:$0x3FDB];
	s0 =	simm.s32 @p2 $0x1  }
0x17: {  	s4 =	simm.s32 $0x1BF5;
	[smem:$0x3FA5] =	sst s0  }
0x18: {  	s0 =	sld [smem:$0x3F88];
	_ =	swait.ge [sflag:s4], $0x0  }
0x19: {  	s7 =	sld [smem:$0x3F89]  }
0x1a: {  	s8 =	sadd.s32 $0xFFFFE003, lr  }
0x1b: {  	s9 =	sadd.s32 $0xFFFFFEF7, lr;
	s5 =	simm.s32 $0xFFFFFFFF;
	p2 =	slt.u32 s8, $0xFFFFF086  }
0x1c: {  	p1 =	slt.u32 s9, $0xF7A;
	s5 =	simm.s32 @!p2 $0x0  }
0x1d: {  	s5 =	simm.s32 @p1 $0x1;
	p0 =	seq.s32 s7, s2  }
0x1e: {  	s7 =	smul.u32 @!p0 $0xF7A, s2;
	p2 =	seq.s32 @!p0 s5, $0x0  }
0x1f: {  	s9 =	smul.u32 $0xF7A, s1;
	s8 =	simm.s32 @!p0 $0x1BF5;
	p2 =	por !p2, p0  }
0x20: {  	[sflag:s8] =	ssyncset.s32 @!p0 $0xFFFFF086;
	s6 =	sadd.s32 @!p0 s3, s7;
	s7 =	simm.s32 @!p0 $0x108  }
0x21: {  	s3 =	sadd.s32 s3, s9;
	s6 =	sadd.s32 @!p0 $0x88, s6;
	s7 =	simm.s32 @p2 $0x1082  }
0x22: {  	[simem:s7], [sflag:s8] =	dma.local @!p0 [hbm:s6], $0xF7A  }
0x23: {  	s9 =	sor.u32 $0xD0000000, s2;
	s6 =	simm.s32 $0x108;
	_ =	swait.ge @!p0 [sflag:s8], $0x0  }
0x24: {  	s3 =	sadd.s32 $0x88, s3;
	s6 =	simm.s32 @!p1 $0x1082;
	[sflag:s4] =	ssyncset.s32 $0xFFFFF086  }
0x25: {  	[simem:s6], [sflag:s4] =	dma.local [hbm:s3], $0xF7A  }
0x26: {  	[smem:$0x3F89] =	sst s1;
	(tag) =	ssettag s2;
	_ =	strace s9  }
0x27: {  	s1 =	sld [smem:$0x3F99]  }
0x28: {  	s2 =	sld [smem:$0x3F9A]  }
0x29: {  	s4 =	sld [smem:$0x3F9C]  }
0x2a: {  	p0 =	seq.s32 s5, $0x0;
	s5 =	sld [smem:$0x3F9D]  }
0x2b: {  	s6 =	sld [smem:$0x3F9E]  }
0x2c: {  	s7 =	sld [smem:$0x3F9F]  }
0x2d: {  	s3 =	simm.s32 $0x108;
	s8 =	sld [smem:$0x3FA0]  }
0x2e: {  	s3 =	simm.s32 @!p0 $0x1082;
	s9 =	sld [smem:$0x3FA1]  }
0x2f: {  	lr =	sadd.s32 s0, s3;
	s0 =	sld [smem:$0x3F98]  }
0x30: {  	s3 =	sld [smem:$0x3F9B]  }
0x31: {  	[smem:$0x3FA4] =	sst s10  }
0x32: {  	s10 =	sld [smem:$0x3FA2];
	_ =	sdelay $0x3  }
0x33: {  	p0 =	seq.s32 s10, $0x1;
	s10 =	sld [smem:$0x3FA4];
	_ =	sdelay $0x3  }
0x34: {  	[smem:$0x3FA4] =	sst s10  }
0x35: {  	s10 =	sld [smem:$0x3FA3];
	_ =	sdelay $0x3  }
0x36: {  	p1 =	seq.s32 s10, $0x1;
	s10 =	sld [smem:$0x3FA4];
	_ =	sdelay $0x3  }
0x37: {  	[smem:$0x3FA4] =	sst s10  }
0x38: {  	s10 =	sld [smem:$0x3FA5]  }
0x39: {  	_ = 	snop;
	(pc) =	sbr.ind lr, $3  }
0x3a: {  	_ = 	snop  }
0x3b: {  	_ = 	snop  }
0x3c: {  	p2 =	seq.s32 s10, $0x1;
	s10 =	sld [smem:$0x3FA4]  }
0x3d: {  	_ =	shalt  }
0x3e: {  	_ =	shalt  }
0x3f: {  	_ =	shalt  }
0x40: {  	_ =	shalt  }
0x41: {  	_ =	shalt  }
0x42: {  	_ =	shalt  }
0x43: {  	_ =	shalt  }
0x44: {  	_ =	shalt  }
0x45: {  	_ =	shalt  }
0x46: {  	_ =	shalt  }
0x47: {  	_ =	shalt  }
0x48: {  	_ =	shalt  }
0x49: {  	_ =	shalt  }
0x4a: {  	_ =	shalt  }
0x4b: {  	_ =	shalt  }
0x4c: {  	_ =	shalt  }
0x4d: {  	_ =	shalt  }
0x4e: {  	_ =	shalt  }
0x4f: {  	_ =	shalt  }
0x50: {  	_ =	shalt  }
0x51: {  	_ =	shalt  }
0x52: {  	_ =	shalt  }
0x53: {  	_ =	shalt  }
0x54: {  	_ =	shalt  }
0x55: {  	_ =	shalt  }
0x56: {  	_ =	shalt  }
0x57: {  	_ =	shalt  }
0x58: {  	_ =	shalt  }
0x59: {  	_ =	shalt  }
0x5a: {  	_ =	shalt  }
0x5b: {  	_ =	shalt  }
0x5c: {  	_ =	shalt  }
0x5d: {  	_ =	shalt  }
0x5e: {  	_ =	shalt  }
0x5f: {  	_ =	shalt  }
0x60: {  	_ =	shalt  }
0x61: {  	_ =	shalt  }
0x62: {  	_ =	shalt  }
0x63: {  	_ =	shalt  }
0x64: {  	_ =	shalt  }
0x65: {  	_ =	shalt  }
0x66: {  	_ =	shalt  }
0x67: {  	_ =	shalt  }
0x68: {  	_ =	shalt  }
0x69: {  	_ =	shalt  }
0x6a: {  	_ =	shalt  }
0x6b: {  	_ =	shalt  }
0x6c: {  	_ =	shalt  }
0x6d: {  	_ =	shalt  }
0x6e: {  	_ =	shalt  }
0x6f: {  	_ =	shalt  }
0x70: {  	_ =	shalt  }
0x71: {  	_ =	shalt  }
0x72: {  	_ =	shalt  }
0x73: {  	_ =	shalt  }
0x74: {  	_ =	shalt  }
0x75: {  	_ =	shalt  }
0x76: {  	_ =	shalt  }
0x77: {  	_ =	shalt  }
0x78: {  	_ =	shalt  }
0x79: {  	_ =	shalt  }
0x7a: {  	_ =	shalt  }
0x7b: {  	_ =	shalt  }
0x7c: {  	_ =	shalt  }
0x7d: {  	_ =	shalt  }
0x7e: {  	_ =	shalt  }
0x7f: {  	_ =	shalt  }
0x80: {  	_ =	shalt  }
0x81: {  	_ =	shalt  }
0x82: {  	_ =	shalt  }
0x83: {  	_ =	shalt  }
0x84: {  	_ =	shalt  }
0x85: {  	_ =	shalt  }
0x86: {  	_ =	shalt  }
0x87: {  	_ =	shalt  }
.Lfunc_end0:
.L_simem_size_0:
called_computation.1_lowered:
.L_overlay_start_0:
0x88: {  	s0 =	sld [smem:$0x3FD9]  }
0x89: {  	s1 =	sld [smem:$0x3FFE];
	_ =	sdelay $0x3  }
0x8a: {  	s0 =	sadd.s32 s1, s0  }
0x8b: {  	[smem:$0x3FB0] =	sst s0  }
0x8c: {  	_ = 	snop  }
0x8d: {  	(tm) =	ssettm $0x1  }
0x8e: {  	s15 =	sld [smem:$0x3FFB];
	_ =	sdelay $0x3  }
0x8f: {  	_ =	strace s15  }
0x90: {  	s0 =	sld [smem:$0x3FFC];
	_ =	sdelay $0x3  }
0x91: {  	_ =	strace s0  }
0x92: {  	s0 =	sld [smem:$0x3FFD];
	_ =	sdelay $0x3  }
0x93: {  	_ =	strace s0  }
0x94: {  	_ =	strace $0x8FFFFFFF  }
0x95: {  	s16 =	sld [smem:$0x3FDB];
	_ =	sdelay $0x1  }
0x96: {  	s17 =	simm.s32 $_scs_section_size  }
0x97: {  	s2 =	simm.s32 $_size__tile_overlayer_lowered;
	s3 =	simm.s32 $_tile_overlayer_lowered  }
0x98: {  	s20 =	simm.s32 $0x1BFF;
	s19 =	sshll.u32 s3, $0x1;
	s0 =	sadd.s32 s17, s16  }
0x99: {  	s4 =	simm.s32 $0x0;
	s18 =	sshll.u32 s2, $0x1;
	s2 =	sadd.s32 s19, s0  }
0x9a: {  	[timem:s4], [sflag:s20] =	dma.local [hbm:s2], s18  }
0x9b: {  	_ =	swait.ge [sflag:s20], s18  }
0x9c: {  	s1 =	ssub.s32 $0x0, s18;
	[sflag:s20] =	ssyncset.done $0x0  }
0x9d: {  	[sflag:s20] =	ssyncadd.s32 s1;
	_ =	sdelay $0x1  }
0x9e: {  	s21 =	simm.s32 $0x1B8B  }
0x9f: {  	_ =	swait.ge [sflag:s21], $0x1  }
0xa0: {  	[sflag:s21] =	ssyncset.done $0x0  }
0xa1: {  	s23 =	simm.s32 $0x1B8E;
	s22 =	sld [smem:$0x3FFE];
	[sflag:s21] =	ssyncadd.s32 $0xFFFFFFFF  }
0xa2: {  	s24 =	simm.s32 $execute0_lowered;
	[smem:$0x3FD2] =	sst s23  }
0xa3: {  	s2 =	sshll.u32 s24, $0x1;
	_ =	strace $0x80000046;
	[dreg:$0x1] =	wrdreg $0xFFFFFFFF  }
0xa4: {  	s25 =	simm.s32 $_size_execute0_lowered;
	s0 =	sadd.s32 s0, s2;
	[dreg:$0x0] =	wrdreg $0x0  }
0xa5: {  	s2 =	sshll.u32 s25, $0x1;
	[dreg:$0x2] =	wrdreg s0  }
0xa6: {  	[dreg:$0x3] =	wrdreg s2  }
0xa7: {  	[dreg:$0x4] =	wrdreg $0xC0  }
0xa8: {  	_ =	task [dreg:s4], $0x5FFFF  }
0xa9: {  	[dreg:$0x1] =	wrdreg $0xFFFFFFFF  }
0xaa: {  	[dreg:$0x0] =	wrdreg $0x60  }
0xab: {  	[dreg:$0x2] =	wrdreg s22  }
0xac: {  	[dreg:$0x3] =	wrdreg $0xA  }
0xad: {  	_ =	task.clear_ibuf [dreg:s4], $0x4FFFF;
	_ =	strace $0x90000046  }
0xae: {  	s26 =	simm.s32 $0xA;
	_ =	strace $0x80000048  }
0xaf: {  	_ =	swait.ge [sflag:s26], $0x1  }
0xb0: {  	[sflag:s26] =	ssyncadd.s32 $0xFFFFFFFF  }
0xb1: {  	_ =	strace $0x90000048  }
0xb2: {  	_ =	sfence  }
0xb3: {  	s28 =	sld [smem:$0x0];
	_ =	sdelay $0x1  }
0xb4: {  	s29 =	srdreg.scid  }
0xb5: {  	s30 =	sshll.u32 s29, $0xD;
	s31 =	sshrl.u32 s29, $0x2  }
0xb6: {  	s1 =	sand.u32 $0x1, s29;
	s2 =	sand.u32 $0x4000, s30;
	s0 =	sadd.s32 s31, s28  }
0xb7: {  	s1 =	sor.u32 s2, s1;
	s0 =	sshll.u32 s0, $0x11  }
0xb8: {  	s0 =	sor.u32 s0, s1  }
0xb9: {  	s0 =	sadd.s32 $0x8F2B, s0  }
0xba: {  	[sflag:s0] =	ssyncadd.remote.s32 $0x1  }
0xbb: {  	_ =	sfence.sel $0xFFFF  }
0xbc: {  	[dreg:$0x0] =	wrdreg $0xFFFFFFFF;
	(pc) =	sbr.abs _section_cstart, $3  }
0xbd: {  	[dreg:$0x1] =	wrdreg $0xFFFFFFFF  }
0xbe: {  	_ =	task.clear_ibuf [dreg:s4], $0x2FFFF;
	_ =	strace $0x9FFFFFFF  }
0xbf: {  	(tm) =	ssettm $0x7FFFFFFF  }
tec
execute0_lowered:
.L_overlay_start_1:
0x0: {  	(tag) =	ssettag $0x1  }
0x1: {  	s0 =	stileid.u32  }
0x2: {  	s2 =	smul.u32 $0x2710, s0;
	_ =	sdelay $0x1  }
0x3: {  	s6 =	ssub.s32 $0xCF850, s2  }
0x4: {  	s1 =	smulhi.u32 $0x68DB9, s6  }
0x5: {  	s8 =	rddreg [dreg:$0x0];
	s5 =	simm.s32 $0x1;
	s10 =	simm.s32 $0x3  }
0x6: {  	s13 =	simm.s32 $0x0;
	s12 =	simm.s32 $0x0;
	s7 =	sshrl.u32 s1, $0x4  }
0x7: {  	s3 =	sadd.s32 $0x9600, s8;
	s4 =	sadd.s32 $0x23600, s8;
	s9 =	smul.u32 $0x27100, s7  }
.Ltmp0:
0x8: {  	s8 =	sadd.s32 $0x9F600, s8;
	s1 =	rddreg [dreg:$0x1];
	(pc) =	sbr.rel .LBB2_1-.Ltmp0, $4  }
0x9: {  	_ =	strace $0x80000047;
	p0 =	sne.s32 s6, s9;
	s9 =	simm.s32 $0x1  }
0xa: {  	[sflag:s5] =	ssyncpa.u1 $0x0;
	s6 =	simm.s32 $0x2;
	s9 =	simm.s32 @!p0 $0x0  }
0xb: {  	s11 =	smov.u32 s2;
	[sflag:s6] =	ssyncpa.u1 $0x0;
	s7 =	sadd.s32 s9, s7  }
0xc: {  	vm0 =	vmmov $0xffff;
	[sflag:s10] =	ssyncpa.u1 $0x0;
	s10 =	simm.s32 $0x0;
	s9 =	sadd.s32 $0x1, s7  }
.LBB2_4:
0xd: {  	v2 =	vnsel vm1, $0x0, v2  }
0xe: {  	vm1 =	vgt.s32 v0, $0x0;
	v2 =	vmin.u32 v2, $0xCF84F  }
0xf: {  	v0 =	vnsel vm1, $0x0, v0  }
0x10: {  	v0 =	vmin.u32 v0, $0xCF84F  }
0x11: {  	[tilespmem:s18], [sflag:$0x1] =	stream.indirect_vreg.gather [hbm4b:s3+s10], $0x1, v1, vm0, $0x4038;
	[tilespmem:$0x9C40] =	vst v63  }
0x12: {  	(ifvalue) =	ssetifvalue $0x7FFFFFFF  }
0x13: {  	[tilespmem:s15], [sflag:$0x1] =	stream.indirect_vreg.gather [hbm4b:s3+s10], $0x1, v2, vm0, $0x4038;
	[tilespmem:$0x9C40] =	vst v63  }
0x14: {  	s29 =	sadd.s32 $0x10, s15;
	(ifvalue) =	ssetifvalue $0x7FFFFFFF  }
0x15: {  	[tilespmem:s29], [sflag:$0x1] =	stream.indirect_vreg.gather [hbm4b:s3+s10], $0x1, v0, vm0, $0x4038;
	[tilespmem:$0x9C40] =	vst v63  }
0x16: {  	_ =	swait.ge [sflag:s5], $0x2710  }
0x17: {  	s30 =	sshrl.u32 s13, $0x3;
	[sflag:s5] =	ssyncset.done $0x0  }
0x18: {  	s31 =	sand.u32 $0x7, s13;
	s15 =	sadd.s32 s8, s30;
	[sflag:s5] =	ssyncadd.s32 $0xFFFFD8F0  }
0x19: {  	[hbm4b:s15+s31] =	stream.linear.scatter [tilespmem:s14], [sflag:$0x3], $0x2710, $0x38;
	[tilespmem:$0x9C40] =	vst v63  }
.LBB2_5:
0x1a: {  	s15 =	sadd.s32 $0x27100, s11  }
0x1b: {  	p1 =	sgt.s32 s15, $0xCF84F  }
0x1c: {  	s15 =	smov.u32 @p1 s2;
	p1 =	sne.s32 s12, s9  }
.Ltmp1:
0x1d: {  	p0 =	slt.u32 s12, $0x2;
	(pc) =	sbr.rel @!p1 .LBB2_6-.Ltmp1, $4  }
0x1e: {  	s14 =	simm.s32 @!p0 $0x3  }
0x1f: {  	_ =	swait.ge @!p0 [sflag:s14], $0x2710  }
0x20: {  	s16 =	sadd.s32 $0x1, s12;
	s13 =	smov.u32 s11;
	[sflag:s14] =	ssyncset.done @!p0 $0x0  }
0x21: {  	s12 =	smov.u32 s16;
	s11 =	smov.u32 s15;
	[sflag:s14] =	ssyncadd.s32 @!p0 $0xFFFFD8F0  }
.LBB2_1:
0x22: {  	p0 =	sge.u32 s12, s7  }
0x23: {  	s14 =	sxor.u32 @!p0 $0xFFFFFFFF, s12  }
0x24: {  	s14 =	sand.u32 @!p0 $0x1, s14  }
0x25: {  	s14 =	smul.u32 @!p0 $0x9C40, s14  }
0x26: {  	s31 =	sadd.s32 $0xFFFFFFFF, s12;
	s15 =	sshrl.u32 @!p0 s11, $0x3  }
0x27: {  	s16 =	sand.u32 @!p0 $0x7, s11;
	s15 =	sadd.s32 @!p0 s4, s15;
	s14 =	sshrl.u32 @!p0 s14, $0x2  }
0x28: {  	[tilespmem:s14], [sflag:$0x2] =	stream.linear.gather @!p0 [hbm4b:s15+s16], $0x2710, $0x38;
	[tilespmem:$0x9C40] =	vst v63  }
0x29: {  	p0 =	sge.u32 s31, s7  }
.Ltmp2:
0x2a: {  	_ = 	snop;
	(pc) =	sbr.rel @p0 .LBB2_5-.Ltmp2, $1  }
0x2b: {  	_ =	sdelay $0x3  }
0x2c: {  	s14 =	sand.u32 $0x1, s12  }
0x2d: {  	_ =	swait.ge [sflag:s6], $0x2710;
	p0 =	seq.s32 s14, $0x1;
	s14 =	simm.s32 $0x2710  }
0x2e: {  	[sflag:s6] =	ssyncset.done $0x0;
	s14 =	simm.s32 @!p0 $0x0  }
0x2f: {  	[sflag:s6] =	ssyncadd.s32 $0xFFFFD8F0;
	(ifvalue) =	ssetifvalue $0x7FFFFFFF;
	v0 =	vld.msk [tilespmem:s14+$0x0 ss:$0x1], $0xffff;
	_ =	sdelay $0x4  }
0x30: {  	s15 =	sadd.s32 $0x10, s14;
	vm1 =	vgt.s32 v0, $0x0  }
0x31: {  	v2 =	vld.msk [tilespmem:s15+$0x0 ss:$0x1], $0xffff;
	v1 =	vnsel vm1, $0x0, v0  }
0x32: {  	v1 =	vmin.u32 v1, $0xCF84F;
	_ =	sdelay $0x2  }
0x33: {  	s17 =	simm.s32 $0x20;
	s14 =	sadd.s32 $0x4E20, s14;
	s16 =	sadd.s32 $0x10, s15  }
0x34: {  	s15 =	sadd.s32 $0x10, s14;
	s18 =	smov.u32 s14;
	v0 =	vld.msk [tilespmem:s16+$0x0 ss:$0x1], $0xffff;
	vm1 =	vgt.s32 v2, $0x0;
	(ifvalue) =	ssetifvalue $0x7FFFFFFF  }
.LBB2_3:
0x35: {  	[tilespmem:s18], [sflag:$0x1] =	stream.indirect_vreg.gather [hbm4b:s3+s10], $0x1, v1, vm0, $0x4038;
	[tilespmem:$0x9C40] =	vst v63  }
0x36: {  	s17 =	sadd.s32 $0x10, s17  }
0x37: {  	v2 =	vnsel vm1, $0x0, v2;
	p0 =	slt.u32 s17, $0x2700  }
.Ltmp3:
0x38: {  	s18 =	smov.u32 s15;
	v1 =	vmin.u32 v2, $0xCF84F;
	(pc) =	sbr.rel @p0 .LBB2_3-.Ltmp3, $3  }
0x39: {  	_ =	sdelay $0x1  }
0x3a: {  	s16 =	sadd.s32 $0x10, s16  }
0x3b: {  	vm1 =	vgt.s32 v0, $0x0;
	s15 =	sadd.s32 $0x10, s15;
	v2 =	vmov v0;
	(ifvalue) =	ssetifvalue $0x7FFFFFFF;
	v0 =	vld.msk [tilespmem:s16+$0x0 ss:$0x1], $0xffff  }
.Ltmp4:
0x3c: {  	_ = 	snop;
	(pc) =	sbr.rel .LBB2_4-.Ltmp4, $1  }
0x3d: {  	_ =	sdelay $0x3  }
.LBB2_6:
0x3e: {  	_ =	sfence.sel $0x180000  }
0x3f: {  	s2 =	simm.s32 $0x2;
	[bflag:$0x0] =	sbarrier.arrive $0xFFFF  }
0x40: {  	s30 =	simm.s32 $0x3;
	[sflag:s2] =	ssyncpa.u1 $0x1  }
0x41: {  	s31 =	simm.s32 $0x1;
	[sflag:s30] =	ssyncpa.u1 $0x1  }
0x42: {  	[sflag:s31] =	ssyncpa.u1 $0x1  }
0x43: {  	p0 =	sne.s32 s0, $0x0;
	_ =	strace $0x90000047  }
0x44: {  	s0 =	sadd.s32 @!p0 $0x100000, s1;
	[bflag:$0x2] =	sbarrier.arrive $0xFFFF  }
0x45: {  	[sflag:s0] =	ssyncadd.tile.s32 @!p0 $0x1;
	_ =	shalt  }
.Lfunc_end2:
_tile_overlayer_lowered:
.L_overlay_start_2:
0x46: {  	(tag) =	ssettag $0x2  }
0x47: {  	s0 =	rddreg [dreg:$0x0];
	s2 =	stileid.u32  }
0x48: {  	s1 =	rddreg [dreg:$0x1];
	p0 =	sne.s32 s2, $0x0  }
0x49: {  	s3 =	rddreg [dreg:$0x2];
	[bflag:$0x3] =	sbarrier.arrive $0xFFFF;
	s2 =	simm.s32 @!p0 $0x1C01  }
0x4a: {  	[timem:s3], [sflag:s2] =	dma.local @!p0 [hbm:s0], s1  }
0x4b: {  	s0 =	simm.s32 @!p0 $0x1  }
0x4c: {  	_ =	swait.ge @!p0 [sflag:s0], s1  }
0x4d: {  	s1 =	ssub.s32 @!p0 $0x0, s1;
	[sflag:s0] =	ssyncset.done @!p0 $0x0  }
0x4e: {  	[sflag:s0] =	ssyncadd.s32 @!p0 s1  }
0x4f: {  	[bflag:$0x3] =	sbarrier.arrive $0xFFFF  }
0x50: {  	_ =	shalt  }

// kernel: gather_offload_async_start
scs
__scs_entry_jumppad:
0x0: {  	(pc) =	sbr.rel $0x88, $3  }
0x1: {  	(tag) =	ssettag $0x0;
	lr =	simm.s32 $0x1  }
0x2: {  	[smem:$0x3F89] =	sst lr;
	_ =	strace $0xD0000000  }
0x3: {  	_ = 	snop  }
0x4: {  	_ = 	snop  }
0x5: {  	_ = 	snop  }
0x6: {  	_ = 	snop  }
0x7: {  	_ = 	snop  }
__scs_overlays_trampoline_lowered:
0x8: {  	[smem:$0x3F98] =	sst s0  }
0x9: {  	[smem:$0x3F99] =	sst s1  }
0xa: {  	[smem:$0x3F9A] =	sst s2  }
0xb: {  	[smem:$0x3F9B] =	sst s3  }
0xc: {  	[smem:$0x3F9C] =	sst s4  }
0xd: {  	[smem:$0x3F9D] =	sst s5  }
0xe: {  	[smem:$0x3F9E] =	sst s6  }
0xf: {  	[smem:$0x3F9F] =	sst s7  }
0x10: {  	[smem:$0x3FA0] =	sst s8  }
0x11: {  	[smem:$0x3FA1] =	sst s9;
	s0 =	simm.s32 @!p0 $0x0  }
0x12: {  	s1 =	sld [smem:$0x3F87];
	s0 =	simm.s32 @p0 $0x1  }
0x13: {  	[smem:$0x3FA2] =	sst s0;
	s0 =	simm.s32 @!p1 $0x0  }
0x14: {  	s2 =	sld [smem:$0x3F86];
	s0 =	simm.s32 @p1 $0x1  }
0x15: {  	[smem:$0x3FA3] =	sst s0;
	s0 =	simm.s32 @!p2 $0x0  }
0x16: {  	s3 =	sld [smem:$0x3FDB];
	s0 =	simm.s32 @p2 $0x1  }
0x17: {  	s4 =	simm.s32 $0x1BF5;
	[smem:$0x3FA5] =	sst s0  }
0x18: {  	s0 =	sld [smem:$0x3F88];
	_ =	swait.ge [sflag:s4], $0x0  }
0x19: {  	s7 =	sld [smem:$0x3F89]  }
0x1a: {  	s8 =	sadd.s32 $0xFFFFE003, lr  }
0x1b: {  	s9 =	sadd.s32 $0xFFFFFEF7, lr;
	s5 =	simm.s32 $0xFFFFFFFF;
	p2 =	slt.u32 s8, $0xFFFFF086  }
0x1c: {  	p1 =	slt.u32 s9, $0xF7A;
	s5 =	simm.s32 @!p2 $0x0  }
0x1d: {  	s5 =	simm.s32 @p1 $0x1;
	p0 =	seq.s32 s7, s2  }
0x1e: {  	s7 =	smul.u32 @!p0 $0xF7A, s2;
	p2 =	seq.s32 @!p0 s5, $0x0  }
0x1f: {  	s9 =	smul.u32 $0xF7A, s1;
	s8 =	simm.s32 @!p0 $0x1BF5;
	p2 =	por !p2, p0  }
0x20: {  	[sflag:s8] =	ssyncset.s32 @!p0 $0xFFFFF086;
	s6 =	sadd.s32 @!p0 s3, s7;
	s7 =	simm.s32 @!p0 $0x108  }
0x21: {  	s3 =	sadd.s32 s3, s9;
	s6 =	sadd.s32 @!p0 $0x88, s6;
	s7 =	simm.s32 @p2 $0x1082  }
0x22: {  	[simem:s7], [sflag:s8] =	dma.local @!p0 [hbm:s6], $0xF7A  }
0x23: {  	s9 =	sor.u32 $0xD0000000, s2;
	s6 =	simm.s32 $0x108;
	_ =	swait.ge @!p0 [sflag:s8], $0x0  }
0x24: {  	s3 =	sadd.s32 $0x88, s3;
	s6 =	simm.s32 @!p1 $0x1082;
	[sflag:s4] =	ssyncset.s32 $0xFFFFF086  }
0x25: {  	[simem:s6], [sflag:s4] =	dma.local [hbm:s3], $0xF7A  }
0x26: {  	[smem:$0x3F89] =	sst s1;
	(tag) =	ssettag s2;
	_ =	strace s9  }
0x27: {  	s1 =	sld [smem:$0x3F99]  }
0x28: {  	s2 =	sld [smem:$0x3F9A]  }
0x29: {  	s4 =	sld [smem:$0x3F9C]  }
0x2a: {  	p0 =	seq.s32 s5, $0x0;
	s5 =	sld [smem:$0x3F9D]  }
0x2b: {  	s6 =	sld [smem:$0x3F9E]  }
0x2c: {  	s7 =	sld [smem:$0x3F9F]  }
0x2d: {  	s3 =	simm.s32 $0x108;
	s8 =	sld [smem:$0x3FA0]  }
0x2e: {  	s3 =	simm.s32 @!p0 $0x1082;
	s9 =	sld [smem:$0x3FA1]  }
0x2f: {  	lr =	sadd.s32 s0, s3;
	s0 =	sld [smem:$0x3F98]  }
0x30: {  	s3 =	sld [smem:$0x3F9B]  }
0x31: {  	[smem:$0x3FA4] =	sst s10  }
0x32: {  	s10 =	sld [smem:$0x3FA2];
	_ =	sdelay $0x3  }
0x33: {  	p0 =	seq.s32 s10, $0x1;
	s10 =	sld [smem:$0x3FA4];
	_ =	sdelay $0x3  }
0x34: {  	[smem:$0x3FA4] =	sst s10  }
0x35: {  	s10 =	sld [smem:$0x3FA3];
	_ =	sdelay $0x3  }
0x36: {  	p1 =	seq.s32 s10, $0x1;
	s10 =	sld [smem:$0x3FA4];
	_ =	sdelay $0x3  }
0x37: {  	[smem:$0x3FA4] =	sst s10  }
0x38: {  	s10 =	sld [smem:$0x3FA5]  }
0x39: {  	_ = 	snop;
	(pc) =	sbr.ind lr, $3  }
0x3a: {  	_ = 	snop  }
0x3b: {  	_ = 	snop  }
0x3c: {  	p2 =	seq.s32 s10, $0x1;
	s10 =	sld [smem:$0x3FA4]  }
0x3d: {  	_ =	shalt  }
0x3e: {  	_ =	shalt  }
0x3f: {  	_ =	shalt  }
0x40: {  	_ =	shalt  }
0x41: {  	_ =	shalt  }
0x42: {  	_ =	shalt  }
0x43: {  	_ =	shalt  }
0x44: {  	_ =	shalt  }
0x45: {  	_ =	shalt  }
0x46: {  	_ =	shalt  }
0x47: {  	_ =	shalt  }
0x48: {  	_ =	shalt  }
0x49: {  	_ =	shalt  }
0x4a: {  	_ =	shalt  }
0x4b: {  	_ =	shalt  }
0x4c: {  	_ =	shalt  }
0x4d: {  	_ =	shalt  }
0x4e: {  	_ =	shalt  }
0x4f: {  	_ =	shalt  }
0x50: {  	_ =	shalt  }
0x51: {  	_ =	shalt  }
0x52: {  	_ =	shalt  }
0x53: {  	_ =	shalt  }
0x54: {  	_ =	shalt  }
0x55: {  	_ =	shalt  }
0x56: {  	_ =	shalt  }
0x57: {  	_ =	shalt  }
0x58: {  	_ =	shalt  }
0x59: {  	_ =	shalt  }
0x5a: {  	_ =	shalt  }
0x5b: {  	_ =	shalt  }
0x5c: {  	_ =	shalt  }
0x5d: {  	_ =	shalt  }
0x5e: {  	_ =	shalt  }
0x5f: {  	_ =	shalt  }
0x60: {  	_ =	shalt  }
0x61: {  	_ =	shalt  }
0x62: {  	_ =	shalt  }
0x63: {  	_ =	shalt  }
0x64: {  	_ =	shalt  }
0x65: {  	_ =	shalt  }
0x66: {  	_ =	shalt  }
0x67: {  	_ =	shalt  }
0x68: {  	_ =	shalt  }
0x69: {  	_ =	shalt  }
0x6a: {  	_ =	shalt  }
0x6b: {  	_ =	shalt  }
0x6c: {  	_ =	shalt  }
0x6d: {  	_ =	shalt  }
0x6e: {  	_ =	shalt  }
0x6f: {  	_ =	shalt  }
0x70: {  	_ =	shalt  }
0x71: {  	_ =	shalt  }
0x72: {  	_ =	shalt  }
0x73: {  	_ =	shalt  }
0x74: {  	_ =	shalt  }
0x75: {  	_ =	shalt  }
0x76: {  	_ =	shalt  }
0x77: {  	_ =	shalt  }
0x78: {  	_ =	shalt  }
0x79: {  	_ =	shalt  }
0x7a: {  	_ =	shalt  }
0x7b: {  	_ =	shalt  }
0x7c: {  	_ =	shalt  }
0x7d: {  	_ =	shalt  }
0x7e: {  	_ =	shalt  }
0x7f: {  	_ =	shalt  }
0x80: {  	_ =	shalt  }
0x81: {  	_ =	shalt  }
0x82: {  	_ =	shalt  }
0x83: {  	_ =	shalt  }
0x84: {  	_ =	shalt  }
0x85: {  	_ =	shalt  }
0x86: {  	_ =	shalt  }
0x87: {  	_ =	shalt  }
.Lfunc_end0:
.L_simem_size_0:
called_computation_lowered:
.L_overlay_start_0:
0x88: {  	s0 =	sld [smem:$0x3FD9]  }
0x89: {  	s1 =	sld [smem:$0x3FFE];
	_ =	sdelay $0x3  }
0x8a: {  	s0 =	sadd.s32 s1, s0  }
0x8b: {  	[smem:$0x3FB0] =	sst s0  }
0x8c: {  	_ = 	snop  }
0x8d: {  	s0 =	sld [smem:$0x3FD0];
	_ =	sdelay $0x2  }
0x8e: {  	s13 =	simm.s32 $0xB;
	s2 =	simm.s32 $0x10  }
0x8f: {  	[smem:s2], [sflag:s13] =	dma.local [hbm:s0], $0x1  }
0x90: {  	_ =	swait.eq [sflag:s13], $0x1  }
0x91: {  	[sflag:s13] =	ssyncset.done $0x0  }
0x92: {  	[sflag:s13] =	ssyncadd.s32 $0xFFFFFFFF  }
0x93: {  	s14 =	sld [smem:$0x15];
	(tm) =	ssettm $0x1  }
0x94: {  	s15 =	sld [smem:$0x3FFB];
	_ =	sdelay $0x3  }
0x95: {  	_ =	strace s15  }
0x96: {  	s1 =	sld [smem:$0x3FFC];
	_ =	sdelay $0x3  }
0x97: {  	_ =	strace s1  }
0x98: {  	s1 =	sld [smem:$0x3FFD];
	_ =	sdelay $0x3  }
0x99: {  	_ =	strace s1  }
0x9a: {  	_ =	strace $0x8FFFFFFF  }
0x9b: {  	s16 =	sld [smem:$0x3FDB];
	_ =	sdelay $0x1  }
0x9c: {  	s17 =	simm.s32 $_scs_section_size  }
0x9d: {  	s3 =	simm.s32 $_size__tile_overlayer_lowered;
	s4 =	simm.s32 $_tile_overlayer_lowered  }
0x9e: {  	s20 =	simm.s32 $0x1BFF;
	s19 =	sshll.u32 s4, $0x1;
	s1 =	sadd.s32 s17, s16  }
0x9f: {  	s5 =	simm.s32 $0x0;
	s18 =	sshll.u32 s3, $0x1;
	s3 =	sadd.s32 s19, s1  }
0xa0: {  	[timem:s5], [sflag:s20] =	dma.local [hbm:s3], s18  }
0xa1: {  	_ =	swait.ge [sflag:s20], s18  }
0xa2: {  	s2 =	ssub.s32 $0x0, s18;
	[sflag:s20] =	ssyncset.done $0x0  }
0xa3: {  	[sflag:s20] =	ssyncadd.s32 s2;
	_ =	sdelay $0x1  }
0xa4: {  	s21 =	simm.s32 $0x1B8B  }
0xa5: {  	_ =	swait.ge [sflag:s21], $0x1  }
0xa6: {  	[sflag:s21] =	ssyncset.done $0x0  }
0xa7: {  	s23 =	simm.s32 $0x1B8E;
	s22 =	sld [smem:$0x3FFE];
	[sflag:s21] =	ssyncadd.s32 $0xFFFFFFFF  }
0xa8: {  	s24 =	simm.s32 $execute0_lowered;
	[smem:$0x3FD2] =	sst s23  }
0xa9: {  	s3 =	sshll.u32 s24, $0x1;
	_ =	strace $0x80000049;
	[dreg:$0x1] =	wrdreg $0xFFFFFFFF  }
0xaa: {  	s25 =	simm.s32 $_size_execute0_lowered;
	s1 =	sadd.s32 s1, s3;
	[dreg:$0x0] =	wrdreg $0x0  }
0xab: {  	s3 =	sshll.u32 s25, $0x1;
	[dreg:$0x2] =	wrdreg s1  }
0xac: {  	[dreg:$0x3] =	wrdreg s3  }
0xad: {  	[dreg:$0x4] =	wrdreg $0xC0  }
0xae: {  	_ =	task [dreg:s5], $0x5FFFF  }
0xaf: {  	[dreg:$0x1] =	wrdreg $0xFFFFFFFF  }
0xb0: {  	[dreg:$0x0] =	wrdreg $0x60  }
0xb1: {  	[dreg:$0x2] =	wrdreg s14  }
0xb2: {  	[dreg:$0x3] =	wrdreg s22  }
0xb3: {  	[dreg:$0x4] =	wrdreg $0x9  }
0xb4: {  	_ =	task.clear_ibuf [dreg:s5], $0x5FFFF;
	_ =	strace $0x90000049  }
0xb5: {  	s26 =	simm.s32 $0x9;
	_ =	strace $0x8000004B  }
0xb6: {  	_ =	swait.ge [sflag:s26], $0x1  }
0xb7: {  	[sflag:s26] =	ssyncadd.s32 $0xFFFFFFFF  }
0xb8: {  	_ =	strace $0x9000004B  }
0xb9: {  	_ =	sfence  }
0xba: {  	s28 =	sld [smem:$0x0];
	_ =	sdelay $0x1  }
0xbb: {  	s29 =	srdreg.scid  }
0xbc: {  	s30 =	sshll.u32 s29, $0xD;
	s31 =	sshrl.u32 s29, $0x2  }
0xbd: {  	s2 =	sand.u32 $0x4000, s30;
	s1 =	sand.u32 $0x1, s29;
	s0 =	sadd.s32 s31, s28  }
0xbe: {  	s1 =	sor.u32 s2, s1;
	s0 =	sshll.u32 s0, $0x11  }
0xbf: {  	s0 =	sor.u32 s0, s1  }
0xc0: {  	s0 =	sadd.s32 $0x8F2B, s0  }
0xc1: {  	[sflag:s0] =	ssyncadd.remote.s32 $0x1  }
0xc2: {  	_ =	sfence.sel $0xFFFF  }
0xc3: {  	[dreg:$0x0] =	wrdreg $0xFFFFFFFF;
	(pc) =	sbr.abs _section_cstart, $3  }
0xc4: {  	[dreg:$0x1] =	wrdreg $0xFFFFFFFF  }
0xc5: {  	_ =	task.clear_ibuf [dreg:s5], $0x2FFFF;
	_ =	strace $0x9FFFFFFF  }
0xc6: {  	(tm) =	ssettm $0x7FFFFFFF  }
0xc7: {  	_ =	shalt  }
tec
execute0_lowered:
.L_overlay_start_1:
0x0: {  	(tag) =	ssettag $0x1  }
0x1: {  	s0 =	stileid.u32  }
0x2: {  	s2 =	smul.u32 $0x2710, s0;
	_ =	sdelay $0x1  }
0x3: {  	s6 =	ssub.s32 $0xCF850, s2  }
0x4: {  	s3 =	rddreg [dreg:$0x0];
	s1 =	smulhi.u32 $0x68DB9, s6  }
0x5: {  	s8 =	rddreg [dreg:$0x1];
	s5 =	simm.s32 $0x1  }
0x6: {  	s10 =	simm.s32 $0x3;
	s13 =	simm.s32 $0x0;
	s7 =	sshrl.u32 s1, $0x4  }
0x7: {  	s12 =	simm.s32 $0x0;
	s4 =	sadd.s32 $0x23600, s8;
	s9 =	smul.u32 $0x27100, s7  }
.Ltmp0:
0x8: {  	s8 =	sadd.s32 $0xB9600, s8;
	s1 =	rddreg [dreg:$0x2];
	(pc) =	sbr.rel .LBB2_1-.Ltmp0, $4  }
0x9: {  	_ =	strace $0x8000004A;
	p0 =	sne.s32 s6, s9;
	s9 =	simm.s32 $0x1  }
0xa: {  	[sflag:s5] =	ssyncpa.u1 $0x0;
	s6 =	simm.s32 $0x2;
	s9 =	simm.s32 @!p0 $0x0  }
0xb: {  	s11 =	smov.u32 s2;
	[sflag:s6] =	ssyncpa.u1 $0x0;
	s7 =	sadd.s32 s9, s7  }
0xc: {  	vm0 =	vmmov $0xffff;
	[sflag:s10] =	ssyncpa.u1 $0x0;
	s10 =	simm.s32 $0x0;
	s9 =	sadd.s32 $0x1, s7  }
.LBB2_4:
0xd: {  	v2 =	vnsel vm1, $0x0, v2  }
0xe: {  	vm1 =	vgt.s32 v0, $0x0;
	v2 =	vmin.u32 v2, $0xCF84F  }
0xf: {  	v0 =	vnsel vm1, $0x0, v0  }
0x10: {  	v0 =	vmin.u32 v0, $0xCF84F  }
0x11: {  	[tilespmem:s18], [sflag:$0x1] =	stream.indirect_vreg.gather [hbm4b:s3+s10], $0x1, v1, vm0, $0x4038;
	[tilespmem:$0x9C40] =	vst v63  }
0x12: {  	(ifvalue) =	ssetifvalue $0x7FFFFFFF  }
0x13: {  	[tilespmem:s15], [sflag:$0x1] =	stream.indirect_vreg.gather [hbm4b:s3+s10], $0x1, v2, vm0, $0x4038;
	[tilespmem:$0x9C40] =	vst v63  }
0x14: {  	s29 =	sadd.s32 $0x10, s15;
	(ifvalue) =	ssetifvalue $0x7FFFFFFF  }
0x15: {  	[tilespmem:s29], [sflag:$0x1] =	stream.indirect_vreg.gather [hbm4b:s3+s10], $0x1, v0, vm0, $0x4038;
	[tilespmem:$0x9C40] =	vst v63  }
0x16: {  	_ =	swait.ge [sflag:s5], $0x2710  }
0x17: {  	s30 =	sshrl.u32 s13, $0x3;
	[sflag:s5] =	ssyncset.done $0x0  }
0x18: {  	s31 =	sand.u32 $0x7, s13;
	s15 =	sadd.s32 s8, s30;
	[sflag:s5] =	ssyncadd.s32 $0xFFFFD8F0  }
0x19: {  	[hbm4b:s15+s31] =	stream.linear.scatter [tilespmem:s14], [sflag:$0x3], $0x2710, $0x38;
	[tilespmem:$0x9C40] =	vst v63  }
.LBB2_5:
0x1a: {  	s15 =	sadd.s32 $0x27100, s11  }
0x1b: {  	p1 =	sgt.s32 s15, $0xCF84F  }
0x1c: {  	s15 =	smov.u32 @p1 s2;
	p1 =	sne.s32 s12, s9  }
.Ltmp1:
0x1d: {  	p0 =	slt.u32 s12, $0x2;
	(pc) =	sbr.rel @!p1 .LBB2_6-.Ltmp1, $4  }
0x1e: {  	s14 =	simm.s32 @!p0 $0x3  }
0x1f: {  	_ =	swait.ge @!p0 [sflag:s14], $0x2710  }
0x20: {  	s16 =	sadd.s32 $0x1, s12;
	s13 =	smov.u32 s11;
	[sflag:s14] =	ssyncset.done @!p0 $0x0  }
0x21: {  	s12 =	smov.u32 s16;
	s11 =	smov.u32 s15;
	[sflag:s14] =	ssyncadd.s32 @!p0 $0xFFFFD8F0  }
.LBB2_1:
0x22: {  	p0 =	sge.u32 s12, s7  }
0x23: {  	s14 =	sxor.u32 @!p0 $0xFFFFFFFF, s12  }
0x24: {  	s14 =	sand.u32 @!p0 $0x1, s14  }
0x25: {  	s14 =	smul.u32 @!p0 $0x9C40, s14  }
0x26: {  	s31 =	sadd.s32 $0xFFFFFFFF, s12;
	s15 =	sshrl.u32 @!p0 s11, $0x3  }
0x27: {  	s16 =	sand.u32 @!p0 $0x7, s11;
	s15 =	sadd.s32 @!p0 s4, s15;
	s14 =	sshrl.u32 @!p0 s14, $0x2  }
0x28: {  	[tilespmem:s14], [sflag:$0x2] =	stream.linear.gather @!p0 [hbm4b:s15+s16], $0x2710, $0x38;
	[tilespmem:$0x9C40] =	vst v63  }
0x29: {  	p0 =	sge.u32 s31, s7  }
.Ltmp2:
0x2a: {  	_ = 	snop;
	(pc) =	sbr.rel @p0 .LBB2_5-.Ltmp2, $1  }
0x2b: {  	_ =	sdelay $0x3  }
0x2c: {  	s14 =	sand.u32 $0x1, s12  }
0x2d: {  	_ =	swait.ge [sflag:s6], $0x2710;
	p0 =	seq.s32 s14, $0x1;
	s14 =	simm.s32 $0x2710  }
0x2e: {  	[sflag:s6] =	ssyncset.done $0x0;
	s14 =	simm.s32 @!p0 $0x0  }
0x2f: {  	[sflag:s6] =	ssyncadd.s32 $0xFFFFD8F0;
	(ifvalue) =	ssetifvalue $0x7FFFFFFF;
	v0 =	vld.msk [tilespmem:s14+$0x0 ss:$0x1], $0xffff;
	_ =	sdelay $0x4  }
0x30: {  	s15 =	sadd.s32 $0x10, s14;
	vm1 =	vgt.s32 v0, $0x0  }
0x31: {  	v2 =	vld.msk [tilespmem:s15+$0x0 ss:$0x1], $0xffff;
	v1 =	vnsel vm1, $0x0, v0  }
0x32: {  	v1 =	vmin.u32 v1, $0xCF84F;
	_ =	sdelay $0x2  }
0x33: {  	s17 =	simm.s32 $0x20;
	s14 =	sadd.s32 $0x4E20, s14;
	s16 =	sadd.s32 $0x10, s15  }
0x34: {  	s15 =	sadd.s32 $0x10, s14;
	s18 =	smov.u32 s14;
	v0 =	vld.msk [tilespmem:s16+$0x0 ss:$0x1], $0xffff;
	vm1 =	vgt.s32 v2, $0x0;
	(ifvalue) =	ssetifvalue $0x7FFFFFFF  }
.LBB2_3:
0x35: {  	[tilespmem:s18], [sflag:$0x1] =	stream.indirect_vreg.gather [hbm4b:s3+s10], $0x1, v1, vm0, $0x4038;
	[tilespmem:$0x9C40] =	vst v63  }
0x36: {  	s17 =	sadd.s32 $0x10, s17  }
0x37: {  	v2 =	vnsel vm1, $0x0, v2;
	p0 =	slt.u32 s17, $0x2700  }
.Ltmp3:
0x38: {  	s18 =	smov.u32 s15;
	v1 =	vmin.u32 v2, $0xCF84F;
	(pc) =	sbr.rel @p0 .LBB2_3-.Ltmp3, $3  }
0x39: {  	_ =	sdelay $0x1  }
0x3a: {  	s16 =	sadd.s32 $0x10, s16  }
0x3b: {  	vm1 =	vgt.s32 v0, $0x0;
	s15 =	sadd.s32 $0x10, s15;
	v2 =	vmov v0;
	(ifvalue) =	ssetifvalue $0x7FFFFFFF;
	v0 =	vld.msk [tilespmem:s16+$0x0 ss:$0x1], $0xffff  }
.Ltmp4:
0x3c: {  	_ = 	snop;
	(pc) =	sbr.rel .LBB2_4-.Ltmp4, $1  }
0x3d: {  	_ =	sdelay $0x3  }
.LBB2_6:
0x3e: {  	_ =	sfence.sel $0x180000  }
0x3f: {  	s2 =	simm.s32 $0x2;
	[bflag:$0x0] =	sbarrier.arrive $0xFFFF  }
0x40: {  	s30 =	simm.s32 $0x3;
	[sflag:s2] =	ssyncpa.u1 $0x1  }
0x41: {  	s31 =	simm.s32 $0x1;
	[sflag:s30] =	ssyncpa.u1 $0x1  }
0x42: {  	[sflag:s31] =	ssyncpa.u1 $0x1  }
0x43: {  	p0 =	sne.s32 s0, $0x0;
	_ =	strace $0x9000004A  }
0x44: {  	s0 =	sadd.s32 @!p0 $0x100000, s1;
	[bflag:$0x2] =	sbarrier.arrive $0xFFFF  }
0x45: {  	[sflag:s0] =	ssyncadd.tile.s32 @!p0 $0x1;
	_ =	shalt  }
.Lfunc_end2:
_tile_overlayer_lowered:
.L_overlay_start_2:
0x46: {  	(tag) =	ssettag $0x2  }
0x47: {  	s0 =	rddreg [dreg:$0x0];
	s2 =	stileid.u32  }
0x48: {  	s1 =	rddreg [dreg:$0x1];
	p0 =	sne.s32 s2, $0x0  }
0x49: {  	s3 =	rddreg [dreg:$0x2];
	[bflag:$0x3] =	sbarrier.arrive $0xFFFF;
	s2 =	simm.s32 @!p0 $0x1C01  }
0x4a: {  	[timem:s3], [sflag:s2] =	dma.local @!p0 [hbm:s0], s1  }
0x4b: {  	s0 =	simm.s32 @!p0 $0x1  }
0x4c: {  	_ =	swait.ge @!p0 [sflag:s0], s1  }
0x4d: {  	s1 =	ssub.s32 @!p0 $0x0, s1;
	[sflag:s0] =	ssyncset.done @!p0 $0x0  }
0x4e: {  	[sflag:s0] =	ssyncadd.s32 @!p0 s1  }
0x4f: {  	[bflag:$0x3] =	sbarrier.arrive $0xFFFF  }
0x50: {  	_ =	shalt  }

</sc_bundles>
